<compile_context>
chip_gen: v7x
topology: tpu7x:2x2x1
jax: 0.10.2.dev20260603
libtpu: 0.0.44.dev20260713+nightly
codegen_flags: <defaults>
</compile_context>

<pallas_src>
import functools

import jax
import jax.numpy as jnp
from jax import lax
from jax.experimental import pallas as pl
from jax.experimental.pallas import tpu as pltpu
from jax.experimental.pallas import tpu_sc as plsc

B = 16384
D = 16
RPB = 8
NUM_CORES = 2
NUM_SUBCORES = 16
NW = NUM_CORES * NUM_SUBCORES
BPW = B // NW
LANES = 16
CHUNK = 32
NCHUNKS = BPW // CHUNK
CGROUPS = CHUNK // LANES

_mesh = plsc.VectorSubcoreMesh(core_axis_name="c", subcore_axis_name="s")


@functools.partial(
    pl.kernel,
    mesh=_mesh,
    out_type=jax.ShapeDtypeStruct((B,), jnp.float32),
    scratch_types=[
        pltpu.VMEM((BPW,), jnp.int32),
        pltpu.VMEM((BPW,), jnp.int32),
        pltpu.VMEM((BPW,), jnp.int32),
        pltpu.VMEM((CHUNK * RPB, D), jnp.float32),
        pltpu.VMEM((CHUNK * RPB, D), jnp.float32),
        pltpu.VMEM((CHUNK * RPB, D), jnp.float32),
        pltpu.VMEM((BPW,), jnp.float32),
        pltpu.SemaphoreType.DMA,
    ],
    compiler_params=pltpu.CompilerParams(
        needs_layout_passes=False, use_tc_tiling_on_sc=True
    ),
)
def _sc_ppush(user_emb, item_emb, users, pos, neg, out,
              ui_v, pi_v, ni_v,
              ur_v, pr_v, nr_v, acc_v, sem):
    wid = lax.axis_index("s") * NUM_CORES + lax.axis_index("c")
    base = pl.multiple_of(wid * BPW, BPW)

    pltpu.sync_copy(users.at[pl.ds(base, BPW)], ui_v)
    pltpu.sync_copy(pos.at[pl.ds(base, BPW)], pi_v)
    pltpu.sync_copy(neg.at[pl.ds(base, BPW)], ni_v)

    lane_iota = lax.iota(jnp.int32, LANES)

    def chunk_body(c, carry):
        coff = pl.multiple_of(c * CHUNK, CHUNK)

        def issue_body(j, carry2):
            joff = pl.multiple_of(j * LANES, LANES)
            ub16 = (ui_v[pl.ds(coff + joff, LANES)] >> 3) << 3
            pb16 = (pi_v[pl.ds(coff + joff, LANES)] >> 3) << 3
            nb16 = (ni_v[pl.ds(coff + joff, LANES)] >> 3) << 3
            for l in range(LANES):
                slot = pl.multiple_of((joff + l) * RPB, RPB)
                pltpu.async_copy(
                    user_emb.at[pl.ds(pl.multiple_of(ub16[l], RPB), RPB)],
                    ur_v.at[pl.ds(slot, RPB)], sem)
                pltpu.async_copy(
                    item_emb.at[pl.ds(pl.multiple_of(pb16[l], RPB), RPB)],
                    pr_v.at[pl.ds(slot, RPB)], sem)
                pltpu.async_copy(
                    item_emb.at[pl.ds(pl.multiple_of(nb16[l], RPB), RPB)],
                    nr_v.at[pl.ds(slot, RPB)], sem)
            return carry2

        lax.fori_loop(0, CHUNK // LANES, issue_body, 0)

        dummy = user_emb.at[pl.ds(0, CHUNK * RPB)]
        pltpu.make_async_copy(dummy, ur_v, sem).wait()
        pltpu.make_async_copy(dummy, pr_v, sem).wait()
        pltpu.make_async_copy(dummy, nr_v, sem).wait()

        def group_body(g, carry2):
            goff = pl.multiple_of(g * LANES, LANES)
            pos_in_chunk = goff + lane_iota
            urow = pos_in_chunk * RPB + (ui_v[pl.ds(coff + goff, LANES)] & 7)
            prow = pos_in_chunk * RPB + (pi_v[pl.ds(coff + goff, LANES)] & 7)
            nrow = pos_in_chunk * RPB + (ni_v[pl.ds(coff + goff, LANES)] & 7)
            acc = jnp.zeros((LANES,), jnp.float32)
            for d in range(D):
                dv = jnp.full((LANES,), d, jnp.int32)
                u = plsc.load_gather(ur_v, [urow, dv])
                p = plsc.load_gather(pr_v, [prow, dv])
                n = plsc.load_gather(nr_v, [nrow, dv])
                acc = acc + u * (p - n)
            acc_v[pl.ds(coff + goff, LANES)] = acc
            return carry2

        lax.fori_loop(0, CGROUPS, group_body, 0)
        return carry

    lax.fori_loop(0, NCHUNKS, chunk_body, 0)

    pltpu.sync_copy(acc_v, out.at[pl.ds(base, BPW)])


def kernel(users, pos_items, neg_items, user_emb, item_emb):
    return _sc_ppush(
        user_emb,
        item_emb,
        users.astype(jnp.int32),
        pos_items.astype(jnp.int32),
        neg_items.astype(jnp.int32),
    )

# --- scband reference (transcript-rebuilt; emitter-appended) ---
"""Pipeline reference for scband-ppush-cr-42039139893457 (READ-ONLY COPY).

The authoritative reference and input builder live on the scoring server;
editing this copy changes nothing except your own understanding.
"""

import jax, jax.numpy as jnp
import numpy as np

B = 16384
N_USERS = 1000000
N_ITEMS = 1000000
D = 16


def setup_inputs(seed: int = 0) -> dict:
    key = jax.random.key(seed)
    ku, kp, kn, kue, kie = jax.random.split(key, 5)
    users = jax.random.randint(ku, (B,), 0, N_USERS, dtype=jnp.int64) if jax.config.jax_enable_x64 else jax.random.randint(ku, (B,), 0, N_USERS).astype(jnp.int32)
    pos_items = jax.random.randint(kp, (B,), 0, N_ITEMS).astype(users.dtype)
    neg_items = jax.random.randint(kn, (B,), 0, N_ITEMS).astype(users.dtype)
    # learned parameters: nn.Embedding weights, init normal(0, 0.1) per module
    user_emb = jax.random.normal(kue, (N_USERS, D), dtype=jnp.float32) * 0.1
    item_emb = jax.random.normal(kie, (N_ITEMS, D), dtype=jnp.float32) * 0.1
    return {
        "users": users,
        "pos_items": pos_items,
        "neg_items": neg_items,
        "user_emb": user_emb,
        "item_emb": item_emb,
    }


def _predict(user_emb, item_emb, users, items):
    ues = jnp.take(user_emb, users, axis=0)
    uis = jnp.take(item_emb, items, axis=0)
    preds = jnp.sum(ues * uis, axis=-1, keepdims=True)
    return jnp.squeeze(preds, axis=-1)


def reference(users, pos_items, neg_items, user_emb, item_emb):
    pos_preds = _predict(user_emb, item_emb, users, pos_items)
    neg_preds = _predict(user_emb, item_emb, users, neg_items)
    return pos_preds - neg_preds

if __name__ == "__main__":
    import jax
    _d = setup_inputs()
    print(jax.jit(kernel)(*tuple(_d.values())))

</pallas_src>

<mosaic_0001>
#map = affine_map<(d0, d1) -> (0, 0)>
#map1 = affine_map<(d0, d1) -> (0)>
module attributes {stable_mosaic.version = 14 : i64} {
  func.func @_sc_ppush(%arg0: i32, %arg1: i32, %arg2: memref<1000000x16xf32, #tpu.memory_space<hbm>>, %arg3: memref<1000000x16xf32, #tpu.memory_space<hbm>>, %arg4: memref<16384xi32, #tpu.memory_space<hbm>>, %arg5: memref<16384xi32, #tpu.memory_space<hbm>>, %arg6: memref<16384xi32, #tpu.memory_space<hbm>>, %arg7: memref<16384xf32, #tpu.memory_space<hbm>>, %arg8: memref<512xi32, #tpu.memory_space<vmem>>, %arg9: memref<512xi32, #tpu.memory_space<vmem>>, %arg10: memref<512xi32, #tpu.memory_space<vmem>>, %arg11: memref<256x16xf32, #tpu.memory_space<vmem>>, %arg12: memref<256x16xf32, #tpu.memory_space<vmem>>, %arg13: memref<256x16xf32, #tpu.memory_space<vmem>>, %arg14: memref<512xf32, #tpu.memory_space<vmem>>, %arg15: memref<!tpu.dma_semaphore, #tpu.memory_space<semaphore_mem>>) attributes {dimension_semantics = [#tpu.dimension_semantics<core_parallel>, #tpu.dimension_semantics<subcore_parallel>], iteration_bounds = array<i64: 2, 16>, scalar_prefetch = 0 : i64, scratch_operands = 8 : i64, tpu.core_type = #tpu.core_type<sc_vector_subcore>, window_params = [{transform_indices = #map}, {transform_indices = #map}, {transform_indices = #map1}, {transform_indices = #map1}, {transform_indices = #map1}, {transform_indices = #map1}]} {
    %mul3A = arith.constant 2 : i32
    %mul3A_0 = arith.muli %arg1, %mul3A : i32
    %add3A = arith.addi %mul3A_0, %arg0 : i32
    %mul3A_1 = arith.constant 512 : i32
    %mul3A_2 = arith.muli %add3A, %mul3A_1 : i32
    %multiple_of3A = tpu.assume_multiple %mul3A_2, 512 : i32
    "tpu.region"() ({
      %run_scoped3A = tpu.sem_alloc : memref<!tpu.dma_semaphore, #tpu.memory_space<semaphore_mem>>
      %dma_start3A = tpu.memref_slice %arg4[%multiple_of3A] : memref<16384xi32, #tpu.memory_space<hbm>> -> memref<512xi32, #tpu.memory_space<hbm>>
      %dma_start3A_8 = tpu.memref_slice %arg4[%multiple_of3A] : memref<16384xi32, #tpu.memory_space<hbm>> -> memref<512xi32, #tpu.memory_space<hbm>>
      tpu.enqueue_dma source(%dma_start3A_8 : memref<512xi32, #tpu.memory_space<hbm>>) target(%arg8 : memref<512xi32, #tpu.memory_space<vmem>>) target_semaphore(%run_scoped3A : memref<!tpu.dma_semaphore, #tpu.memory_space<semaphore_mem>>)
      %dma_wait3A = tpu.memref_slice %arg4[%multiple_of3A] : memref<16384xi32, #tpu.memory_space<hbm>> -> memref<512xi32, #tpu.memory_space<hbm>>
      %dma_wait3A_9 = tpu.memref_slice %arg4[%multiple_of3A] : memref<16384xi32, #tpu.memory_space<hbm>> -> memref<512xi32, #tpu.memory_space<hbm>>
      tpu.wait_dma2 semaphore(%run_scoped3A : memref<!tpu.dma_semaphore, #tpu.memory_space<semaphore_mem>>) src(%dma_wait3A_9 : memref<512xi32, #tpu.memory_space<hbm>>) dst(%arg8 : memref<512xi32, #tpu.memory_space<vmem>>)
      tpu.yield
    }) : () -> ()
    "tpu.region"() ({
      %run_scoped3A = tpu.sem_alloc : memref<!tpu.dma_semaphore, #tpu.memory_space<semaphore_mem>>
      %dma_start3A = tpu.memref_slice %arg5[%multiple_of3A] : memref<16384xi32, #tpu.memory_space<hbm>> -> memref<512xi32, #tpu.memory_space<hbm>>
      %dma_start3A_8 = tpu.memref_slice %arg5[%multiple_of3A] : memref<16384xi32, #tpu.memory_space<hbm>> -> memref<512xi32, #tpu.memory_space<hbm>>
      tpu.enqueue_dma source(%dma_start3A_8 : memref<512xi32, #tpu.memory_space<hbm>>) target(%arg9 : memref<512xi32, #tpu.memory_space<vmem>>) target_semaphore(%run_scoped3A : memref<!tpu.dma_semaphore, #tpu.memory_space<semaphore_mem>>)
      %dma_wait3A = tpu.memref_slice %arg5[%multiple_of3A] : memref<16384xi32, #tpu.memory_space<hbm>> -> memref<512xi32, #tpu.memory_space<hbm>>
      %dma_wait3A_9 = tpu.memref_slice %arg5[%multiple_of3A] : memref<16384xi32, #tpu.memory_space<hbm>> -> memref<512xi32, #tpu.memory_space<hbm>>
      tpu.wait_dma2 semaphore(%run_scoped3A : memref<!tpu.dma_semaphore, #tpu.memory_space<semaphore_mem>>) src(%dma_wait3A_9 : memref<512xi32, #tpu.memory_space<hbm>>) dst(%arg9 : memref<512xi32, #tpu.memory_space<vmem>>)
      tpu.yield
    }) : () -> ()
    "tpu.region"() ({
      %run_scoped3A = tpu.sem_alloc : memref<!tpu.dma_semaphore, #tpu.memory_space<semaphore_mem>>
      %dma_start3A = tpu.memref_slice %arg6[%multiple_of3A] : memref<16384xi32, #tpu.memory_space<hbm>> -> memref<512xi32, #tpu.memory_space<hbm>>
      %dma_start3A_8 = tpu.memref_slice %arg6[%multiple_of3A] : memref<16384xi32, #tpu.memory_space<hbm>> -> memref<512xi32, #tpu.memory_space<hbm>>
      tpu.enqueue_dma source(%dma_start3A_8 : memref<512xi32, #tpu.memory_space<hbm>>) target(%arg10 : memref<512xi32, #tpu.memory_space<vmem>>) target_semaphore(%run_scoped3A : memref<!tpu.dma_semaphore, #tpu.memory_space<semaphore_mem>>)
      %dma_wait3A = tpu.memref_slice %arg6[%multiple_of3A] : memref<16384xi32, #tpu.memory_space<hbm>> -> memref<512xi32, #tpu.memory_space<hbm>>
      %dma_wait3A_9 = tpu.memref_slice %arg6[%multiple_of3A] : memref<16384xi32, #tpu.memory_space<hbm>> -> memref<512xi32, #tpu.memory_space<hbm>>
      tpu.wait_dma2 semaphore(%run_scoped3A : memref<!tpu.dma_semaphore, #tpu.memory_space<semaphore_mem>>) src(%dma_wait3A_9 : memref<512xi32, #tpu.memory_space<hbm>>) dst(%arg10 : memref<512xi32, #tpu.memory_space<vmem>>)
      tpu.yield
    }) : () -> ()
    %iota3A = tpu.iota {dimensions = array<i32: 0>} : vector<16xi32>
    %scan3A = arith.constant 0 : i32
    %scan3A_3 = arith.constant 0 : i32
    %scan3A_4 = arith.constant 16 : i32
    %scan3A_5 = arith.addi %scan3A_3, %scan3A_4 : i32
    %scan3A_6 = arith.constant 1 : i32
    scf.for %scan3A_8 = %scan3A_3 to %scan3A_5 step %scan3A_6  : i32 {
      %mul3A_9 = arith.constant 32 : i32
      %mul3A_10 = arith.muli %scan3A_8, %mul3A_9 : i32
      %multiple_of3A_11 = tpu.assume_multiple %mul3A_10, 32 : i32
      %scan3A_12 = arith.constant 0 : i32
      %scan3A_13 = arith.constant 0 : i32
      %scan3A_14 = arith.constant 2 : i32
      %scan3A_15 = arith.addi %scan3A_13, %scan3A_14 : i32
      %scan3A_16 = arith.constant 1 : i32
      scf.for %scan3A_41 = %scan3A_13 to %scan3A_15 step %scan3A_16  : i32 {
        %mul3A_42 = arith.constant 16 : i32
        %mul3A_43 = arith.muli %scan3A_41, %mul3A_42 : i32
        %multiple_of3A_44 = tpu.assume_multiple %mul3A_43, 16 : i32
        %add3A_45 = arith.addi %multiple_of3A_11, %multiple_of3A_44 : i32
        %get3A = arith.index_cast %add3A_45 : i32 to index
        %get3A_46 = tpu.vector_load %arg8[%get3A] {strides = array<i32>} : memref<512xi32, #tpu.memory_space<vmem>>, vector<16xi32>,
        %shift_right_arithmetic3A = arith.constant 3 : i32
        %shift_right_arithmetic3A_47 = vector.broadcast %shift_right_arithmetic3A : i32 to vector<16xi32>
        %shift_right_arithmetic3A_48 = arith.shrsi %get3A_46, %shift_right_arithmetic3A_47 : vector<16xi32>
        %shift_left3A = arith.constant 3 : i32
        %shift_left3A_49 = vector.broadcast %shift_left3A : i32 to vector<16xi32>
        %shift_left3A_50 = arith.shli %shift_right_arithmetic3A_48, %shift_left3A_49 : vector<16xi32>
        %add3A_51 = arith.addi %multiple_of3A_11, %multiple_of3A_44 : i32
        %get3A_52 = arith.index_cast %add3A_51 : i32 to index
        %get3A_53 = tpu.vector_load %arg9[%get3A_52] {strides = array<i32>} : memref<512xi32, #tpu.memory_space<vmem>>, vector<16xi32>,
        %shift_right_arithmetic3A_54 = arith.constant 3 : i32
        %shift_right_arithmetic3A_55 = vector.broadcast %shift_right_arithmetic3A_54 : i32 to vector<16xi32>
        %shift_right_arithmetic3A_56 = arith.shrsi %get3A_53, %shift_right_arithmetic3A_55 : vector<16xi32>
        %shift_left3A_57 = arith.constant 3 : i32
        %shift_left3A_58 = vector.broadcast %shift_left3A_57 : i32 to vector<16xi32>
        %shift_left3A_59 = arith.shli %shift_right_arithmetic3A_56, %shift_left3A_58 : vector<16xi32>
        %add3A_60 = arith.addi %multiple_of3A_11, %multiple_of3A_44 : i32
        %get3A_61 = arith.index_cast %add3A_60 : i32 to index
        %get3A_62 = tpu.vector_load %arg10[%get3A_61] {strides = array<i32>} : memref<512xi32, #tpu.memory_space<vmem>>, vector<16xi32>,
        %shift_right_arithmetic3A_63 = arith.constant 3 : i32
        %shift_right_arithmetic3A_64 = vector.broadcast %shift_right_arithmetic3A_63 : i32 to vector<16xi32>
        %shift_right_arithmetic3A_65 = arith.shrsi %get3A_62, %shift_right_arithmetic3A_64 : vector<16xi32>
        %shift_left3A_66 = arith.constant 3 : i32
        %shift_left3A_67 = vector.broadcast %shift_left3A_66 : i32 to vector<16xi32>
        %shift_left3A_68 = arith.shli %shift_right_arithmetic3A_65, %shift_left3A_67 : vector<16xi32>
        %add3A_69 = arith.constant 0 : i32
        %add3A_70 = arith.addi %multiple_of3A_44, %add3A_69 : i32
        %mul3A_71 = arith.constant 8 : i32
        %mul3A_72 = arith.muli %add3A_70, %mul3A_71 : i32
        %multiple_of3A_73 = tpu.assume_multiple %mul3A_72, 8 : i32
        %slice3A = vector.extract_strided_slice %shift_left3A_50 {offsets = [0], sizes = [1], strides = [1]} : vector<16xi32> to vector<1xi32>
        %squeeze3A = vector.extract %slice3A[0] : i32 from vector<1xi32>
        %multiple_of3A_74 = tpu.assume_multiple %squeeze3A, 8 : i32
        %dma_start3A = arith.constant 0 : i32
        %dma_start3A_75 = tpu.memref_slice %arg11[%multiple_of3A_73, %dma_start3A] : memref<256x16xf32, #tpu.memory_space<vmem>> -> memref<8x16xf32, #tpu.memory_space<vmem>>
        %dma_start3A_76 = arith.constant 0 : i32
        %dma_start3A_77 = tpu.memref_slice %arg2[%multiple_of3A_74, %dma_start3A_76] : memref<1000000x16xf32, #tpu.memory_space<hbm>> -> memref<8x16xf32, #tpu.memory_space<hbm>>
        %dma_start3A_78 = arith.constant 0 : i32
        %dma_start3A_79 = tpu.memref_slice %arg11[%multiple_of3A_73, %dma_start3A_78] : memref<256x16xf32, #tpu.memory_space<vmem>> -> memref<8x16xf32, #tpu.memory_space<vmem>>
        %dma_start3A_80 = arith.constant 0 : i32
        %dma_start3A_81 = tpu.memref_slice %arg2[%multiple_of3A_74, %dma_start3A_80] : memref<1000000x16xf32, #tpu.memory_space<hbm>> -> memref<8x16xf32, #tpu.memory_space<hbm>>
        tpu.enqueue_dma source(%dma_start3A_81 : memref<8x16xf32, #tpu.memory_space<hbm>>) target(%dma_start3A_79 : memref<8x16xf32, #tpu.memory_space<vmem>>) target_semaphore(%arg15 : memref<!tpu.dma_semaphore, #tpu.memory_space<semaphore_mem>>)
        %slice3A_82 = vector.extract_strided_slice %shift_left3A_59 {offsets = [0], sizes = [1], strides = [1]} : vector<16xi32> to vector<1xi32>
        %squeeze3A_83 = vector.extract %slice3A_82[0] : i32 from vector<1xi32>
        %multiple_of3A_84 = tpu.assume_multiple %squeeze3A_83, 8 : i32
        %dma_start3A_85 = arith.constant 0 : i32
        %dma_start3A_86 = tpu.memref_slice %arg12[%multiple_of3A_73, %dma_start3A_85] : memref<256x16xf32, #tpu.memory_space<vmem>> -> memref<8x16xf32, #tpu.memory_space<vmem>>
        %dma_start3A_87 = arith.constant 0 : i32
        %dma_start3A_88 = tpu.memref_slice %arg3[%multiple_of3A_84, %dma_start3A_87] : memref<1000000x16xf32, #tpu.memory_space<hbm>> -> memref<8x16xf32, #tpu.memory_space<hbm>>
        %dma_start3A_89 = arith.constant 0 : i32
        %dma_start3A_90 = tpu.memref_slice %arg12[%multiple_of3A_73, %dma_start3A_89] : memref<256x16xf32, #tpu.memory_space<vmem>> -> memref<8x16xf32, #tpu.memory_space<vmem>>
        %dma_start3A_91 = arith.constant 0 : i32
        %dma_start3A_92 = tpu.memref_slice %arg3[%multiple_of3A_84, %dma_start3A_91] : memref<1000000x16xf32, #tpu.memory_space<hbm>> -> memref<8x16xf32, #tpu.memory_space<hbm>>
        tpu.enqueue_dma source(%dma_start3A_92 : memref<8x16xf32, #tpu.memory_space<hbm>>) target(%dma_start3A_90 : memref<8x16xf32, #tpu.memory_space<vmem>>) target_semaphore(%arg15 : memref<!tpu.dma_semaphore, #tpu.memory_space<semaphore_mem>>)
        %slice3A_93 = vector.extract_strided_slice %shift_left3A_68 {offsets = [0], sizes = [1], strides = [1]} : vector<16xi32> to vector<1xi32>
        %squeeze3A_94 = vector.extract %slice3A_93[0] : i32 from vector<1xi32>
        %multiple_of3A_95 = tpu.assume_multiple %squeeze3A_94, 8 : i32
        %dma_start3A_96 = arith.constant 0 : i32
        %dma_start3A_97 = tpu.memref_slice %arg13[%multiple_of3A_73, %dma_start3A_96] : memref<256x16xf32, #tpu.memory_space<vmem>> -> memref<8x16xf32, #tpu.memory_space<vmem>>
        %dma_start3A_98 = arith.constant 0 : i32
        %dma_start3A_99 = tpu.memref_slice %arg3[%multiple_of3A_95, %dma_start3A_98] : memref<1000000x16xf32, #tpu.memory_space<hbm>> -> memref<8x16xf32, #tpu.memory_space<hbm>>
        %dma_start3A_100 = arith.constant 0 : i32
        %dma_start3A_101 = tpu.memref_slice %arg13[%multiple_of3A_73, %dma_start3A_100] : memref<256x16xf32, #tpu.memory_space<vmem>> -> memref<8x16xf32, #tpu.memory_space<vmem>>
        %dma_start3A_102 = arith.constant 0 : i32
        %dma_start3A_103 = tpu.memref_slice %arg3[%multiple_of3A_95, %dma_start3A_102] : memref<1000000x16xf32, #tpu.memory_space<hbm>> -> memref<8x16xf32, #tpu.memory_space<hbm>>
        tpu.enqueue_dma source(%dma_start3A_103 : memref<8x16xf32, #tpu.memory_space<hbm>>) target(%dma_start3A_101 : memref<8x16xf32, #tpu.memory_space<vmem>>) target_semaphore(%arg15 : memref<!tpu.dma_semaphore, #tpu.memory_space<semaphore_mem>>)
        %add3A_104 = arith.constant 1 : i32
        %add3A_105 = arith.addi %multiple_of3A_44, %add3A_104 : i32
        %mul3A_106 = arith.constant 8 : i32
        %mul3A_107 = arith.muli %add3A_105, %mul3A_106 : i32
        %multiple_of3A_108 = tpu.assume_multiple %mul3A_107, 8 : i32
        %slice3A_109 = vector.extract_strided_slice %shift_left3A_50 {offsets = [1], sizes = [1], strides = [1]} : vector<16xi32> to vector<1xi32>
        %squeeze3A_110 = vector.extract %slice3A_109[0] : i32 from vector<1xi32>
        %multiple_of3A_111 = tpu.assume_multiple %squeeze3A_110, 8 : i32
        %dma_start3A_112 = arith.constant 0 : i32
        %dma_start3A_113 = tpu.memref_slice %arg11[%multiple_of3A_108, %dma_start3A_112] : memref<256x16xf32, #tpu.memory_space<vmem>> -> memref<8x16xf32, #tpu.memory_space<vmem>>
        %dma_start3A_114 = arith.constant 0 : i32
        %dma_start3A_115 = tpu.memref_slice %arg2[%multiple_of3A_111, %dma_start3A_114] : memref<1000000x16xf32, #tpu.memory_space<hbm>> -> memref<8x16xf32, #tpu.memory_space<hbm>>
        %dma_start3A_116 = arith.constant 0 : i32
        %dma_start3A_117 = tpu.memref_slice %arg11[%multiple_of3A_108, %dma_start3A_116] : memref<256x16xf32, #tpu.memory_space<vmem>> -> memref<8x16xf32, #tpu.memory_space<vmem>>
        %dma_start3A_118 = arith.constant 0 : i32
        %dma_start3A_119 = tpu.memref_slice %arg2[%multiple_of3A_111, %dma_start3A_118] : memref<1000000x16xf32, #tpu.memory_space<hbm>> -> memref<8x16xf32, #tpu.memory_space<hbm>>
        tpu.enqueue_dma source(%dma_start3A_119 : memref<8x16xf32, #tpu.memory_space<hbm>>) target(%dma_start3A_117 : memref<8x16xf32, #tpu.memory_space<vmem>>) target_semaphore(%arg15 : memref<!tpu.dma_semaphore, #tpu.memory_space<semaphore_mem>>)
        %slice3A_120 = vector.extract_strided_slice %shift_left3A_59 {offsets = [1], sizes = [1], strides = [1]} : vector<16xi32> to vector<1xi32>
        %squeeze3A_121 = vector.extract %slice3A_120[0] : i32 from vector<1xi32>
        %multiple_of3A_122 = tpu.assume_multiple %squeeze3A_121, 8 : i32
        %dma_start3A_123 = arith.constant 0 : i32
        %dma_start3A_124 = tpu.memref_slice %arg12[%multiple_of3A_108, %dma_start3A_123] : memref<256x16xf32, #tpu.memory_space<vmem>> -> memref<8x16xf32, #tpu.memory_space<vmem>>
        %dma_start3A_125 = arith.constant 0 : i32
        %dma_start3A_126 = tpu.memref_slice %arg3[%multiple_of3A_122, %dma_start3A_125] : memref<1000000x16xf32, #tpu.memory_space<hbm>> -> memref<8x16xf32, #tpu.memory_space<hbm>>
        %dma_start3A_127 = arith.constant 0 : i32
        %dma_start3A_128 = tpu.memref_slice %arg12[%multiple_of3A_108, %dma_start3A_127] : memref<256x16xf32, #tpu.memory_space<vmem>> -> memref<8x16xf32, #tpu.memory_space<vmem>>
        %dma_start3A_129 = arith.constant 0 : i32
        %dma_start3A_130 = tpu.memref_slice %arg3[%multiple_of3A_122, %dma_start3A_129] : memref<1000000x16xf32, #tpu.memory_space<hbm>> -> memref<8x16xf32, #tpu.memory_space<hbm>>
        tpu.enqueue_dma source(%dma_start3A_130 : memref<8x16xf32, #tpu.memory_space<hbm>>) target(%dma_start3A_128 : memref<8x16xf32, #tpu.memory_space<vmem>>) target_semaphore(%arg15 : memref<!tpu.dma_semaphore, #tpu.memory_space<semaphore_mem>>)
        %slice3A_131 = vector.extract_strided_slice %shift_left3A_68 {offsets = [1], sizes = [1], strides = [1]} : vector<16xi32> to vector<1xi32>
        %squeeze3A_132 = vector.extract %slice3A_131[0] : i32 from vector<1xi32>
        %multiple_of3A_133 = tpu.assume_multiple %squeeze3A_132, 8 : i32
        %dma_start3A_134 = arith.constant 0 : i32
        %dma_start3A_135 = tpu.memref_slice %arg13[%multiple_of3A_108, %dma_start3A_134] : memref<256x16xf32, #tpu.memory_space<vmem>> -> memref<8x16xf32, #tpu.memory_space<vmem>>
        %dma_start3A_136 = arith.constant 0 : i32
        %dma_start3A_137 = tpu.memref_slice %arg3[%multiple_of3A_133, %dma_start3A_136] : memref<1000000x16xf32, #tpu.memory_space<hbm>> -> memref<8x16xf32, #tpu.memory_space<hbm>>
        %dma_start3A_138 = arith.constant 0 : i32
        %dma_start3A_139 = tpu.memref_slice %arg13[%multiple_of3A_108, %dma_start3A_138] : memref<256x16xf32, #tpu.memory_space<vmem>> -> memref<8x16xf32, #tpu.memory_space<vmem>>
        %dma_start3A_140 = arith.constant 0 : i32
        %dma_start3A_141 = tpu.memref_slice %arg3[%multiple_of3A_133, %dma_start3A_140] : memref<1000000x16xf32, #tpu.memory_space<hbm>> -> memref<8x16xf32, #tpu.memory_space<hbm>>
        tpu.enqueue_dma source(%dma_start3A_141 : memref<8x16xf32, #tpu.memory_space<hbm>>) target(%dma_start3A_139 : memref<8x16xf32, #tpu.memory_space<vmem>>) target_semaphore(%arg15 : memref<!tpu.dma_semaphore, #tpu.memory_space<semaphore_mem>>)
        %add3A_142 = arith.constant 2 : i32
        %add3A_143 = arith.addi %multiple_of3A_44, %add3A_142 : i32
        %mul3A_144 = arith.constant 8 : i32
        %mul3A_145 = arith.muli %add3A_143, %mul3A_144 : i32
        %multiple_of3A_146 = tpu.assume_multiple %mul3A_145, 8 : i32
        %slice3A_147 = vector.extract_strided_slice %shift_left3A_50 {offsets = [2], sizes = [1], strides = [1]} : vector<16xi32> to vector<1xi32>
        %squeeze3A_148 = vector.extract %slice3A_147[0] : i32 from vector<1xi32>
        %multiple_of3A_149 = tpu.assume_multiple %squeeze3A_148, 8 : i32
        %dma_start3A_150 = arith.constant 0 : i32
        %dma_start3A_151 = tpu.memref_slice %arg11[%multiple_of3A_146, %dma_start3A_150] : memref<256x16xf32, #tpu.memory_space<vmem>> -> memref<8x16xf32, #tpu.memory_space<vmem>>
        %dma_start3A_152 = arith.constant 0 : i32
        %dma_start3A_153 = tpu.memref_slice %arg2[%multiple_of3A_149, %dma_start3A_152] : memref<1000000x16xf32, #tpu.memory_space<hbm>> -> memref<8x16xf32, #tpu.memory_space<hbm>>
        %dma_start3A_154 = arith.constant 0 : i32
        %dma_start3A_155 = tpu.memref_slice %arg11[%multiple_of3A_146, %dma_start3A_154] : memref<256x16xf32, #tpu.memory_space<vmem>> -> memref<8x16xf32, #tpu.memory_space<vmem>>
        %dma_start3A_156 = arith.constant 0 : i32
        %dma_start3A_157 = tpu.memref_slice %arg2[%multiple_of3A_149, %dma_start3A_156] : memref<1000000x16xf32, #tpu.memory_space<hbm>> -> memref<8x16xf32, #tpu.memory_space<hbm>>
        tpu.enqueue_dma source(%dma_start3A_157 : memref<8x16xf32, #tpu.memory_space<hbm>>) target(%dma_start3A_155 : memref<8x16xf32, #tpu.memory_space<vmem>>) target_semaphore(%arg15 : memref<!tpu.dma_semaphore, #tpu.memory_space<semaphore_mem>>)
        %slice3A_158 = vector.extract_strided_slice %shift_left3A_59 {offsets = [2], sizes = [1], strides = [1]} : vector<16xi32> to vector<1xi32>
        %squeeze3A_159 = vector.extract %slice3A_158[0] : i32 from vector<1xi32>
        %multiple_of3A_160 = tpu.assume_multiple %squeeze3A_159, 8 : i32
        %dma_start3A_161 = arith.constant 0 : i32
        %dma_start3A_162 = tpu.memref_slice %arg12[%multiple_of3A_146, %dma_start3A_161] : memref<256x16xf32, #tpu.memory_space<vmem>> -> memref<8x16xf32, #tpu.memory_space<vmem>>
        %dma_start3A_163 = arith.constant 0 : i32
        %dma_start3A_164 = tpu.memref_slice %arg3[%multiple_of3A_160, %dma_start3A_163] : memref<1000000x16xf32, #tpu.memory_space<hbm>> -> memref<8x16xf32, #tpu.memory_space<hbm>>
        %dma_start3A_165 = arith.constant 0 : i32
        %dma_start3A_166 = tpu.memref_slice %arg12[%multiple_of3A_146, %dma_start3A_165] : memref<256x16xf32, #tpu.memory_space<vmem>> -> memref<8x16xf32, #tpu.memory_space<vmem>>
        %dma_start3A_167 = arith.constant 0 : i32
        %dma_start3A_168 = tpu.memref_slice %arg3[%multiple_of3A_160, %dma_start3A_167] : memref<1000000x16xf32, #tpu.memory_space<hbm>> -> memref<8x16xf32, #tpu.memory_space<hbm>>
        tpu.enqueue_dma source(%dma_start3A_168 : memref<8x16xf32, #tpu.memory_space<hbm>>) target(%dma_start3A_166 : memref<8x16xf32, #tpu.memory_space<vmem>>) target_semaphore(%arg15 : memref<!tpu.dma_semaphore, #tpu.memory_space<semaphore_mem>>)
        %slice3A_169 = vector.extract_strided_slice %shift_left3A_68 {offsets = [2], sizes = [1], strides = [1]} : vector<16xi32> to vector<1xi32>
        %squeeze3A_170 = vector.extract %slice3A_169[0] : i32 from vector<1xi32>
        %multiple_of3A_171 = tpu.assume_multiple %squeeze3A_170, 8 : i32
        %dma_start3A_172 = arith.constant 0 : i32
        %dma_start3A_173 = tpu.memref_slice %arg13[%multiple_of3A_146, %dma_start3A_172] : memref<256x16xf32, #tpu.memory_space<vmem>> -> memref<8x16xf32, #tpu.memory_space<vmem>>
        %dma_start3A_174 = arith.constant 0 : i32
        %dma_start3A_175 = tpu.memref_slice %arg3[%multiple_of3A_171, %dma_start3A_174] : memref<1000000x16xf32, #tpu.memory_space<hbm>> -> memref<8x16xf32, #tpu.memory_space<hbm>>
        %dma_start3A_176 = arith.constant 0 : i32
        %dma_start3A_177 = tpu.memref_slice %arg13[%multiple_of3A_146, %dma_start3A_176] : memref<256x16xf32, #tpu.memory_space<vmem>> -> memref<8x16xf32, #tpu.memory_space<vmem>>
        %dma_start3A_178 = arith.constant 0 : i32
        %dma_start3A_179 = tpu.memref_slice %arg3[%multiple_of3A_171, %dma_start3A_178] : memref<1000000x16xf32, #tpu.memory_space<hbm>> -> memref<8x16xf32, #tpu.memory_space<hbm>>
        tpu.enqueue_dma source(%dma_start3A_179 : memref<8x16xf32, #tpu.memory_space<hbm>>) target(%dma_start3A_177 : memref<8x16xf32, #tpu.memory_space<vmem>>) target_semaphore(%arg15 : memref<!tpu.dma_semaphore, #tpu.memory_space<semaphore_mem>>)
        %add3A_180 = arith.constant 3 : i32
        %add3A_181 = arith.addi %multiple_of3A_44, %add3A_180 : i32
        %mul3A_182 = arith.constant 8 : i32
        %mul3A_183 = arith.muli %add3A_181, %mul3A_182 : i32
        %multiple_of3A_184 = tpu.assume_multiple %mul3A_183, 8 : i32
        %slice3A_185 = vector.extract_strided_slice %shift_left3A_50 {offsets = [3], sizes = [1], strides = [1]} : vector<16xi32> to vector<1xi32>
        %squeeze3A_186 = vector.extract %slice3A_185[0] : i32 from vector<1xi32>
        %multiple_of3A_187 = tpu.assume_multiple %squeeze3A_186, 8 : i32
        %dma_start3A_188 = arith.constant 0 : i32
        %dma_start3A_189 = tpu.memref_slice %arg11[%multiple_of3A_184, %dma_start3A_188] : memref<256x16xf32, #tpu.memory_space<vmem>> -> memref<8x16xf32, #tpu.memory_space<vmem>>
        %dma_start3A_190 = arith.constant 0 : i32
        %dma_start3A_191 = tpu.memref_slice %arg2[%multiple_of3A_187, %dma_start3A_190] : memref<1000000x16xf32, #tpu.memory_space<hbm>> -> memref<8x16xf32, #tpu.memory_space<hbm>>
        %dma_start3A_192 = arith.constant 0 : i32
        %dma_start3A_193 = tpu.memref_slice %arg11[%multiple_of3A_184, %dma_start3A_192] : memref<256x16xf32, #tpu.memory_space<vmem>> -> memref<8x16xf32, #tpu.memory_space<vmem>>
        %dma_start3A_194 = arith.constant 0 : i32
        %dma_start3A_195 = tpu.memref_slice %arg2[%multiple_of3A_187, %dma_start3A_194] : memref<1000000x16xf32, #tpu.memory_space<hbm>> -> memref<8x16xf32, #tpu.memory_space<hbm>>
        tpu.enqueue_dma source(%dma_start3A_195 : memref<8x16xf32, #tpu.memory_space<hbm>>) target(%dma_start3A_193 : memref<8x16xf32, #tpu.memory_space<vmem>>) target_semaphore(%arg15 : memref<!tpu.dma_semaphore, #tpu.memory_space<semaphore_mem>>)
        %slice3A_196 = vector.extract_strided_slice %shift_left3A_59 {offsets = [3], sizes = [1], strides = [1]} : vector<16xi32> to vector<1xi32>
        %squeeze3A_197 = vector.extract %slice3A_196[0] : i32 from vector<1xi32>
        %multiple_of3A_198 = tpu.assume_multiple %squeeze3A_197, 8 : i32
        %dma_start3A_199 = arith.constant 0 : i32
        %dma_start3A_200 = tpu.memref_slice %arg12[%multiple_of3A_184, %dma_start3A_199] : memref<256x16xf32, #tpu.memory_space<vmem>> -> memref<8x16xf32, #tpu.memory_space<vmem>>
        %dma_start3A_201 = arith.constant 0 : i32
        %dma_start3A_202 = tpu.memref_slice %arg3[%multiple_of3A_198, %dma_start3A_201] : memref<1000000x16xf32, #tpu.memory_space<hbm>> -> memref<8x16xf32, #tpu.memory_space<hbm>>
        %dma_start3A_203 = arith.constant 0 : i32
        %dma_start3A_204 = tpu.memref_slice %arg12[%multiple_of3A_184, %dma_start3A_203] : memref<256x16xf32, #tpu.memory_space<vmem>> -> memref<8x16xf32, #tpu.memory_space<vmem>>
        %dma_start3A_205 = arith.constant 0 : i32
        %dma_start3A_206 = tpu.memref_slice %arg3[%multiple_of3A_198, %dma_start3A_205] : memref<1000000x16xf32, #tpu.memory_space<hbm>> -> memref<8x16xf32, #tpu.memory_space<hbm>>
        tpu.enqueue_dma source(%dma_start3A_206 : memref<8x16xf32, #tpu.memory_space<hbm>>) target(%dma_start3A_204 : memref<8x16xf32, #tpu.memory_space<vmem>>) target_semaphore(%arg15 : memref<!tpu.dma_semaphore, #tpu.memory_space<semaphore_mem>>)
        %slice3A_207 = vector.extract_strided_slice %shift_left3A_68 {offsets = [3], sizes = [1], strides = [1]} : vector<16xi32> to vector<1xi32>
        %squeeze3A_208 = vector.extract %slice3A_207[0] : i32 from vector<1xi32>
        %multiple_of3A_209 = tpu.assume_multiple %squeeze3A_208, 8 : i32
        %dma_start3A_210 = arith.constant 0 : i32
        %dma_start3A_211 = tpu.memref_slice %arg13[%multiple_of3A_184, %dma_start3A_210] : memref<256x16xf32, #tpu.memory_space<vmem>> -> memref<8x16xf32, #tpu.memory_space<vmem>>
        %dma_start3A_212 = arith.constant 0 : i32
        %dma_start3A_213 = tpu.memref_slice %arg3[%multiple_of3A_209, %dma_start3A_212] : memref<1000000x16xf32, #tpu.memory_space<hbm>> -> memref<8x16xf32, #tpu.memory_space<hbm>>
        %dma_start3A_214 = arith.constant 0 : i32
        %dma_start3A_215 = tpu.memref_slice %arg13[%multiple_of3A_184, %dma_start3A_214] : memref<256x16xf32, #tpu.memory_space<vmem>> -> memref<8x16xf32, #tpu.memory_space<vmem>>
        %dma_start3A_216 = arith.constant 0 : i32
        %dma_start3A_217 = tpu.memref_slice %arg3[%multiple_of3A_209, %dma_start3A_216] : memref<1000000x16xf32, #tpu.memory_space<hbm>> -> memref<8x16xf32, #tpu.memory_space<hbm>>
        tpu.enqueue_dma source(%dma_start3A_217 : memref<8x16xf32, #tpu.memory_space<hbm>>) target(%dma_start3A_215 : memref<8x16xf32, #tpu.memory_space<vmem>>) target_semaphore(%arg15 : memref<!tpu.dma_semaphore, #tpu.memory_space<semaphore_mem>>)
        %add3A_218 = arith.constant 4 : i32
        %add3A_219 = arith.addi %multiple_of3A_44, %add3A_218 : i32
        %mul3A_220 = arith.constant 8 : i32
        %mul3A_221 = arith.muli %add3A_219, %mul3A_220 : i32
        %multiple_of3A_222 = tpu.assume_multiple %mul3A_221, 8 : i32
        %slice3A_223 = vector.extract_strided_slice %shift_left3A_50 {offsets = [4], sizes = [1], strides = [1]} : vector<16xi32> to vector<1xi32>
        %squeeze3A_224 = vector.extract %slice3A_223[0] : i32 from vector<1xi32>
        %multiple_of3A_225 = tpu.assume_multiple %squeeze3A_224, 8 : i32
        %dma_start3A_226 = arith.constant 0 : i32
        %dma_start3A_227 = tpu.memref_slice %arg11[%multiple_of3A_222, %dma_start3A_226] : memref<256x16xf32, #tpu.memory_space<vmem>> -> memref<8x16xf32, #tpu.memory_space<vmem>>
        %dma_start3A_228 = arith.constant 0 : i32
        %dma_start3A_229 = tpu.memref_slice %arg2[%multiple_of3A_225, %dma_start3A_228] : memref<1000000x16xf32, #tpu.memory_space<hbm>> -> memref<8x16xf32, #tpu.memory_space<hbm>>
        %dma_start3A_230 = arith.constant 0 : i32
        %dma_start3A_231 = tpu.memref_slice %arg11[%multiple_of3A_222, %dma_start3A_230] : memref<256x16xf32, #tpu.memory_space<vmem>> -> memref<8x16xf32, #tpu.memory_space<vmem>>
        %dma_start3A_232 = arith.constant 0 : i32
        %dma_start3A_233 = tpu.memref_slice %arg2[%multiple_of3A_225, %dma_start3A_232] : memref<1000000x16xf32, #tpu.memory_space<hbm>> -> memref<8x16xf32, #tpu.memory_space<hbm>>
        tpu.enqueue_dma source(%dma_start3A_233 : memref<8x16xf32, #tpu.memory_space<hbm>>) target(%dma_start3A_231 : memref<8x16xf32, #tpu.memory_space<vmem>>) target_semaphore(%arg15 : memref<!tpu.dma_semaphore, #tpu.memory_space<semaphore_mem>>)
        %slice3A_234 = vector.extract_strided_slice %shift_left3A_59 {offsets = [4], sizes = [1], strides = [1]} : vector<16xi32> to vector<1xi32>
        %squeeze3A_235 = vector.extract %slice3A_234[0] : i32 from vector<1xi32>
        %multiple_of3A_236 = tpu.assume_multiple %squeeze3A_235, 8 : i32
        %dma_start3A_237 = arith.constant 0 : i32
        %dma_start3A_238 = tpu.memref_slice %arg12[%multiple_of3A_222, %dma_start3A_237] : memref<256x16xf32, #tpu.memory_space<vmem>> -> memref<8x16xf32, #tpu.memory_space<vmem>>
        %dma_start3A_239 = arith.constant 0 : i32
        %dma_start3A_240 = tpu.memref_slice %arg3[%multiple_of3A_236, %dma_start3A_239] : memref<1000000x16xf32, #tpu.memory_space<hbm>> -> memref<8x16xf32, #tpu.memory_space<hbm>>
        %dma_start3A_241 = arith.constant 0 : i32
        %dma_start3A_242 = tpu.memref_slice %arg12[%multiple_of3A_222, %dma_start3A_241] : memref<256x16xf32, #tpu.memory_space<vmem>> -> memref<8x16xf32, #tpu.memory_space<vmem>>
        %dma_start3A_243 = arith.constant 0 : i32
        %dma_start3A_244 = tpu.memref_slice %arg3[%multiple_of3A_236, %dma_start3A_243] : memref<1000000x16xf32, #tpu.memory_space<hbm>> -> memref<8x16xf32, #tpu.memory_space<hbm>>
        tpu.enqueue_dma source(%dma_start3A_244 : memref<8x16xf32, #tpu.memory_space<hbm>>) target(%dma_start3A_242 : memref<8x16xf32, #tpu.memory_space<vmem>>) target_semaphore(%arg15 : memref<!tpu.dma_semaphore, #tpu.memory_space<semaphore_mem>>)
        %slice3A_245 = vector.extract_strided_slice %shift_left3A_68 {offsets = [4], sizes = [1], strides = [1]} : vector<16xi32> to vector<1xi32>
        %squeeze3A_246 = vector.extract %slice3A_245[0] : i32 from vector<1xi32>
        %multiple_of3A_247 = tpu.assume_multiple %squeeze3A_246, 8 : i32
        %dma_start3A_248 = arith.constant 0 : i32
        %dma_start3A_249 = tpu.memref_slice %arg13[%multiple_of3A_222, %dma_start3A_248] : memref<256x16xf32, #tpu.memory_space<vmem>> -> memref<8x16xf32, #tpu.memory_space<vmem>>
        %dma_start3A_250 = arith.constant 0 : i32
        %dma_start3A_251 = tpu.memref_slice %arg3[%multiple_of3A_247, %dma_start3A_250] : memref<1000000x16xf32, #tpu.memory_space<hbm>> -> memref<8x16xf32, #tpu.memory_space<hbm>>
        %dma_start3A_252 = arith.constant 0 : i32
        %dma_start3A_253 = tpu.memref_slice %arg13[%multiple_of3A_222, %dma_start3A_252] : memref<256x16xf32, #tpu.memory_space<vmem>> -> memref<8x16xf32, #tpu.memory_space<vmem>>
        %dma_start3A_254 = arith.constant 0 : i32
        %dma_start3A_255 = tpu.memref_slice %arg3[%multiple_of3A_247, %dma_start3A_254] : memref<1000000x16xf32, #tpu.memory_space<hbm>> -> memref<8x16xf32, #tpu.memory_space<hbm>>
        tpu.enqueue_dma source(%dma_start3A_255 : memref<8x16xf32, #tpu.memory_space<hbm>>) target(%dma_start3A_253 : memref<8x16xf32, #tpu.memory_space<vmem>>) target_semaphore(%arg15 : memref<!tpu.dma_semaphore, #tpu.memory_space<semaphore_mem>>)
        %add3A_256 = arith.constant 5 : i32
        %add3A_257 = arith.addi %multiple_of3A_44, %add3A_256 : i32
        %mul3A_258 = arith.constant 8 : i32
        %mul3A_259 = arith.muli %add3A_257, %mul3A_258 : i32
        %multiple_of3A_260 = tpu.assume_multiple %mul3A_259, 8 : i32
        %slice3A_261 = vector.extract_strided_slice %shift_left3A_50 {offsets = [5], sizes = [1], strides = [1]} : vector<16xi32> to vector<1xi32>
        %squeeze3A_262 = vector.extract %slice3A_261[0] : i32 from vector<1xi32>
        %multiple_of3A_263 = tpu.assume_multiple %squeeze3A_262, 8 : i32
        %dma_start3A_264 = arith.constant 0 : i32
        %dma_start3A_265 = tpu.memref_slice %arg11[%multiple_of3A_260, %dma_start3A_264] : memref<256x16xf32, #tpu.memory_space<vmem>> -> memref<8x16xf32, #tpu.memory_space<vmem>>
        %dma_start3A_266 = arith.constant 0 : i32
        %dma_start3A_267 = tpu.memref_slice %arg2[%multiple_of3A_263, %dma_start3A_266] : memref<1000000x16xf32, #tpu.memory_space<hbm>> -> memref<8x16xf32, #tpu.memory_space<hbm>>
        %dma_start3A_268 = arith.constant 0 : i32
        %dma_start3A_269 = tpu.memref_slice %arg11[%multiple_of3A_260, %dma_start3A_268] : memref<256x16xf32, #tpu.memory_space<vmem>> -> memref<8x16xf32, #tpu.memory_space<vmem>>
        %dma_start3A_270 = arith.constant 0 : i32
        %dma_start3A_271 = tpu.memref_slice %arg2[%multiple_of3A_263, %dma_start3A_270] : memref<1000000x16xf32, #tpu.memory_space<hbm>> -> memref<8x16xf32, #tpu.memory_space<hbm>>
        tpu.enqueue_dma source(%dma_start3A_271 : memref<8x16xf32, #tpu.memory_space<hbm>>) target(%dma_start3A_269 : memref<8x16xf32, #tpu.memory_space<vmem>>) target_semaphore(%arg15 : memref<!tpu.dma_semaphore, #tpu.memory_space<semaphore_mem>>)
        %slice3A_272 = vector.extract_strided_slice %shift_left3A_59 {offsets = [5], sizes = [1], strides = [1]} : vector<16xi32> to vector<1xi32>
        %squeeze3A_273 = vector.extract %slice3A_272[0] : i32 from vector<1xi32>
        %multiple_of3A_274 = tpu.assume_multiple %squeeze3A_273, 8 : i32
        %dma_start3A_275 = arith.constant 0 : i32
        %dma_start3A_276 = tpu.memref_slice %arg12[%multiple_of3A_260, %dma_start3A_275] : memref<256x16xf32, #tpu.memory_space<vmem>> -> memref<8x16xf32, #tpu.memory_space<vmem>>
        %dma_start3A_277 = arith.constant 0 : i32
        %dma_start3A_278 = tpu.memref_slice %arg3[%multiple_of3A_274, %dma_start3A_277] : memref<1000000x16xf32, #tpu.memory_space<hbm>> -> memref<8x16xf32, #tpu.memory_space<hbm>>
        %dma_start3A_279 = arith.constant 0 : i32
        %dma_start3A_280 = tpu.memref_slice %arg12[%multiple_of3A_260, %dma_start3A_279] : memref<256x16xf32, #tpu.memory_space<vmem>> -> memref<8x16xf32, #tpu.memory_space<vmem>>
        %dma_start3A_281 = arith.constant 0 : i32
        %dma_start3A_282 = tpu.memref_slice %arg3[%multiple_of3A_274, %dma_start3A_281] : memref<1000000x16xf32, #tpu.memory_space<hbm>> -> memref<8x16xf32, #tpu.memory_space<hbm>>
        tpu.enqueue_dma source(%dma_start3A_282 : memref<8x16xf32, #tpu.memory_space<hbm>>) target(%dma_start3A_280 : memref<8x16xf32, #tpu.memory_space<vmem>>) target_semaphore(%arg15 : memref<!tpu.dma_semaphore, #tpu.memory_space<semaphore_mem>>)
        %slice3A_283 = vector.extract_strided_slice %shift_left3A_68 {offsets = [5], sizes = [1], strides = [1]} : vector<16xi32> to vector<1xi32>
        %squeeze3A_284 = vector.extract %slice3A_283[0] : i32 from vector<1xi32>
        %multiple_of3A_285 = tpu.assume_multiple %squeeze3A_284, 8 : i32
        %dma_start3A_286 = arith.constant 0 : i32
        %dma_start3A_287 = tpu.memref_slice %arg13[%multiple_of3A_260, %dma_start3A_286] : memref<256x16xf32, #tpu.memory_space<vmem>> -> memref<8x16xf32, #tpu.memory_space<vmem>>
        %dma_start3A_288 = arith.constant 0 : i32
        %dma_start3A_289 = tpu.memref_slice %arg3[%multiple_of3A_285, %dma_start3A_288] : memref<1000000x16xf32, #tpu.memory_space<hbm>> -> memref<8x16xf32, #tpu.memory_space<hbm>>
        %dma_start3A_290 = arith.constant 0 : i32
        %dma_start3A_291 = tpu.memref_slice %arg13[%multiple_of3A_260, %dma_start3A_290] : memref<256x16xf32, #tpu.memory_space<vmem>> -> memref<8x16xf32, #tpu.memory_space<vmem>>
        %dma_start3A_292 = arith.constant 0 : i32
        %dma_start3A_293 = tpu.memref_slice %arg3[%multiple_of3A_285, %dma_start3A_292] : memref<1000000x16xf32, #tpu.memory_space<hbm>> -> memref<8x16xf32, #tpu.memory_space<hbm>>
        tpu.enqueue_dma source(%dma_start3A_293 : memref<8x16xf32, #tpu.memory_space<hbm>>) target(%dma_start3A_291 : memref<8x16xf32, #tpu.memory_space<vmem>>) target_semaphore(%arg15 : memref<!tpu.dma_semaphore, #tpu.memory_space<semaphore_mem>>)
        %add3A_294 = arith.constant 6 : i32
        %add3A_295 = arith.addi %multiple_of3A_44, %add3A_294 : i32
        %mul3A_296 = arith.constant 8 : i32
        %mul3A_297 = arith.muli %add3A_295, %mul3A_296 : i32
        %multiple_of3A_298 = tpu.assume_multiple %mul3A_297, 8 : i32
        %slice3A_299 = vector.extract_strided_slice %shift_left3A_50 {offsets = [6], sizes = [1], strides = [1]} : vector<16xi32> to vector<1xi32>
        %squeeze3A_300 = vector.extract %slice3A_299[0] : i32 from vector<1xi32>
        %multiple_of3A_301 = tpu.assume_multiple %squeeze3A_300, 8 : i32
        %dma_start3A_302 = arith.constant 0 : i32
        %dma_start3A_303 = tpu.memref_slice %arg11[%multiple_of3A_298, %dma_start3A_302] : memref<256x16xf32, #tpu.memory_space<vmem>> -> memref<8x16xf32, #tpu.memory_space<vmem>>
        %dma_start3A_304 = arith.constant 0 : i32
        %dma_start3A_305 = tpu.memref_slice %arg2[%multiple_of3A_301, %dma_start3A_304] : memref<1000000x16xf32, #tpu.memory_space<hbm>> -> memref<8x16xf32, #tpu.memory_space<hbm>>
        %dma_start3A_306 = arith.constant 0 : i32
        %dma_start3A_307 = tpu.memref_slice %arg11[%multiple_of3A_298, %dma_start3A_306] : memref<256x16xf32, #tpu.memory_space<vmem>> -> memref<8x16xf32, #tpu.memory_space<vmem>>
        %dma_start3A_308 = arith.constant 0 : i32
        %dma_start3A_309 = tpu.memref_slice %arg2[%multiple_of3A_301, %dma_start3A_308] : memref<1000000x16xf32, #tpu.memory_space<hbm>> -> memref<8x16xf32, #tpu.memory_space<hbm>>
        tpu.enqueue_dma source(%dma_start3A_309 : memref<8x16xf32, #tpu.memory_space<hbm>>) target(%dma_start3A_307 : memref<8x16xf32, #tpu.memory_space<vmem>>) target_semaphore(%arg15 : memref<!tpu.dma_semaphore, #tpu.memory_space<semaphore_mem>>)
        %slice3A_310 = vector.extract_strided_slice %shift_left3A_59 {offsets = [6], sizes = [1], strides = [1]} : vector<16xi32> to vector<1xi32>
        %squeeze3A_311 = vector.extract %slice3A_310[0] : i32 from vector<1xi32>
        %multiple_of3A_312 = tpu.assume_multiple %squeeze3A_311, 8 : i32
        %dma_start3A_313 = arith.constant 0 : i32
        %dma_start3A_314 = tpu.memref_slice %arg12[%multiple_of3A_298, %dma_start3A_313] : memref<256x16xf32, #tpu.memory_space<vmem>> -> memref<8x16xf32, #tpu.memory_space<vmem>>
        %dma_start3A_315 = arith.constant 0 : i32
        %dma_start3A_316 = tpu.memref_slice %arg3[%multiple_of3A_312, %dma_start3A_315] : memref<1000000x16xf32, #tpu.memory_space<hbm>> -> memref<8x16xf32, #tpu.memory_space<hbm>>
        %dma_start3A_317 = arith.constant 0 : i32
        %dma_start3A_318 = tpu.memref_slice %arg12[%multiple_of3A_298, %dma_start3A_317] : memref<256x16xf32, #tpu.memory_space<vmem>> -> memref<8x16xf32, #tpu.memory_space<vmem>>
        %dma_start3A_319 = arith.constant 0 : i32
        %dma_start3A_320 = tpu.memref_slice %arg3[%multiple_of3A_312, %dma_start3A_319] : memref<1000000x16xf32, #tpu.memory_space<hbm>> -> memref<8x16xf32, #tpu.memory_space<hbm>>
        tpu.enqueue_dma source(%dma_start3A_320 : memref<8x16xf32, #tpu.memory_space<hbm>>) target(%dma_start3A_318 : memref<8x16xf32, #tpu.memory_space<vmem>>) target_semaphore(%arg15 : memref<!tpu.dma_semaphore, #tpu.memory_space<semaphore_mem>>)
        %slice3A_321 = vector.extract_strided_slice %shift_left3A_68 {offsets = [6], sizes = [1], strides = [1]} : vector<16xi32> to vector<1xi32>
        %squeeze3A_322 = vector.extract %slice3A_321[0] : i32 from vector<1xi32>
        %multiple_of3A_323 = tpu.assume_multiple %squeeze3A_322, 8 : i32
        %dma_start3A_324 = arith.constant 0 : i32
        %dma_start3A_325 = tpu.memref_slice %arg13[%multiple_of3A_298, %dma_start3A_324] : memref<256x16xf32, #tpu.memory_space<vmem>> -> memref<8x16xf32, #tpu.memory_space<vmem>>
        %dma_start3A_326 = arith.constant 0 : i32
        %dma_start3A_327 = tpu.memref_slice %arg3[%multiple_of3A_323, %dma_start3A_326] : memref<1000000x16xf32, #tpu.memory_space<hbm>> -> memref<8x16xf32, #tpu.memory_space<hbm>>
        %dma_start3A_328 = arith.constant 0 : i32
        %dma_start3A_329 = tpu.memref_slice %arg13[%multiple_of3A_298, %dma_start3A_328] : memref<256x16xf32, #tpu.memory_space<vmem>> -> memref<8x16xf32, #tpu.memory_space<vmem>>
        %dma_start3A_330 = arith.constant 0 : i32
        %dma_start3A_331 = tpu.memref_slice %arg3[%multiple_of3A_323, %dma_start3A_330] : memref<1000000x16xf32, #tpu.memory_space<hbm>> -> memref<8x16xf32, #tpu.memory_space<hbm>>
        tpu.enqueue_dma source(%dma_start3A_331 : memref<8x16xf32, #tpu.memory_space<hbm>>) target(%dma_start3A_329 : memref<8x16xf32, #tpu.memory_space<vmem>>) target_semaphore(%arg15 : memref<!tpu.dma_semaphore, #tpu.memory_space<semaphore_mem>>)
        %add3A_332 = arith.constant 7 : i32
        %add3A_333 = arith.addi %multiple_of3A_44, %add3A_332 : i32
        %mul3A_334 = arith.constant 8 : i32
        %mul3A_335 = arith.muli %add3A_333, %mul3A_334 : i32
        %multiple_of3A_336 = tpu.assume_multiple %mul3A_335, 8 : i32
        %slice3A_337 = vector.extract_strided_slice %shift_left3A_50 {offsets = [7], sizes = [1], strides = [1]} : vector<16xi32> to vector<1xi32>
        %squeeze3A_338 = vector.extract %slice3A_337[0] : i32 from vector<1xi32>
        %multiple_of3A_339 = tpu.assume_multiple %squeeze3A_338, 8 : i32
        %dma_start3A_340 = arith.constant 0 : i32
        %dma_start3A_341 = tpu.memref_slice %arg11[%multiple_of3A_336, %dma_start3A_340] : memref<256x16xf32, #tpu.memory_space<vmem>> -> memref<8x16xf32, #tpu.memory_space<vmem>>
        %dma_start3A_342 = arith.constant 0 : i32
        %dma_start3A_343 = tpu.memref_slice %arg2[%multiple_of3A_339, %dma_start3A_342] : memref<1000000x16xf32, #tpu.memory_space<hbm>> -> memref<8x16xf32, #tpu.memory_space<hbm>>
        %dma_start3A_344 = arith.constant 0 : i32
        %dma_start3A_345 = tpu.memref_slice %arg11[%multiple_of3A_336, %dma_start3A_344] : memref<256x16xf32, #tpu.memory_space<vmem>> -> memref<8x16xf32, #tpu.memory_space<vmem>>
        %dma_start3A_346 = arith.constant 0 : i32
        %dma_start3A_347 = tpu.memref_slice %arg2[%multiple_of3A_339, %dma_start3A_346] : memref<1000000x16xf32, #tpu.memory_space<hbm>> -> memref<8x16xf32, #tpu.memory_space<hbm>>
        tpu.enqueue_dma source(%dma_start3A_347 : memref<8x16xf32, #tpu.memory_space<hbm>>) target(%dma_start3A_345 : memref<8x16xf32, #tpu.memory_space<vmem>>) target_semaphore(%arg15 : memref<!tpu.dma_semaphore, #tpu.memory_space<semaphore_mem>>)
        %slice3A_348 = vector.extract_strided_slice %shift_left3A_59 {offsets = [7], sizes = [1], strides = [1]} : vector<16xi32> to vector<1xi32>
        %squeeze3A_349 = vector.extract %slice3A_348[0] : i32 from vector<1xi32>
        %multiple_of3A_350 = tpu.assume_multiple %squeeze3A_349, 8 : i32
        %dma_start3A_351 = arith.constant 0 : i32
        %dma_start3A_352 = tpu.memref_slice %arg12[%multiple_of3A_336, %dma_start3A_351] : memref<256x16xf32, #tpu.memory_space<vmem>> -> memref<8x16xf32, #tpu.memory_space<vmem>>
        %dma_start3A_353 = arith.constant 0 : i32
        %dma_start3A_354 = tpu.memref_slice %arg3[%multiple_of3A_350, %dma_start3A_353] : memref<1000000x16xf32, #tpu.memory_space<hbm>> -> memref<8x16xf32, #tpu.memory_space<hbm>>
        %dma_start3A_355 = arith.constant 0 : i32
        %dma_start3A_356 = tpu.memref_slice %arg12[%multiple_of3A_336, %dma_start3A_355] : memref<256x16xf32, #tpu.memory_space<vmem>> -> memref<8x16xf32, #tpu.memory_space<vmem>>
        %dma_start3A_357 = arith.constant 0 : i32
        %dma_start3A_358 = tpu.memref_slice %arg3[%multiple_of3A_350, %dma_start3A_357] : memref<1000000x16xf32, #tpu.memory_space<hbm>> -> memref<8x16xf32, #tpu.memory_space<hbm>>
        tpu.enqueue_dma source(%dma_start3A_358 : memref<8x16xf32, #tpu.memory_space<hbm>>) target(%dma_start3A_356 : memref<8x16xf32, #tpu.memory_space<vmem>>) target_semaphore(%arg15 : memref<!tpu.dma_semaphore, #tpu.memory_space<semaphore_mem>>)
        %slice3A_359 = vector.extract_strided_slice %shift_left3A_68 {offsets = [7], sizes = [1], strides = [1]} : vector<16xi32> to vector<1xi32>
        %squeeze3A_360 = vector.extract %slice3A_359[0] : i32 from vector<1xi32>
        %multiple_of3A_361 = tpu.assume_multiple %squeeze3A_360, 8 : i32
        %dma_start3A_362 = arith.constant 0 : i32
        %dma_start3A_363 = tpu.memref_slice %arg13[%multiple_of3A_336, %dma_start3A_362] : memref<256x16xf32, #tpu.memory_space<vmem>> -> memref<8x16xf32, #tpu.memory_space<vmem>>
        %dma_start3A_364 = arith.constant 0 : i32
        %dma_start3A_365 = tpu.memref_slice %arg3[%multiple_of3A_361, %dma_start3A_364] : memref<1000000x16xf32, #tpu.memory_space<hbm>> -> memref<8x16xf32, #tpu.memory_space<hbm>>
        %dma_start3A_366 = arith.constant 0 : i32
        %dma_start3A_367 = tpu.memref_slice %arg13[%multiple_of3A_336, %dma_start3A_366] : memref<256x16xf32, #tpu.memory_space<vmem>> -> memref<8x16xf32, #tpu.memory_space<vmem>>
        %dma_start3A_368 = arith.constant 0 : i32
        %dma_start3A_369 = tpu.memref_slice %arg3[%multiple_of3A_361, %dma_start3A_368] : memref<1000000x16xf32, #tpu.memory_space<hbm>> -> memref<8x16xf32, #tpu.memory_space<hbm>>
        tpu.enqueue_dma source(%dma_start3A_369 : memref<8x16xf32, #tpu.memory_space<hbm>>) target(%dma_start3A_367 : memref<8x16xf32, #tpu.memory_space<vmem>>) target_semaphore(%arg15 : memref<!tpu.dma_semaphore, #tpu.memory_space<semaphore_mem>>)
        %add3A_370 = arith.constant 8 : i32
        %add3A_371 = arith.addi %multiple_of3A_44, %add3A_370 : i32
        %mul3A_372 = arith.constant 8 : i32
        %mul3A_373 = arith.muli %add3A_371, %mul3A_372 : i32
        %multiple_of3A_374 = tpu.assume_multiple %mul3A_373, 8 : i32
        %slice3A_375 = vector.extract_strided_slice %shift_left3A_50 {offsets = [8], sizes = [1], strides = [1]} : vector<16xi32> to vector<1xi32>
        %squeeze3A_376 = vector.extract %slice3A_375[0] : i32 from vector<1xi32>
        %multiple_of3A_377 = tpu.assume_multiple %squeeze3A_376, 8 : i32
        %dma_start3A_378 = arith.constant 0 : i32
        %dma_start3A_379 = tpu.memref_slice %arg11[%multiple_of3A_374, %dma_start3A_378] : memref<256x16xf32, #tpu.memory_space<vmem>> -> memref<8x16xf32, #tpu.memory_space<vmem>>
        %dma_start3A_380 = arith.constant 0 : i32
        %dma_start3A_381 = tpu.memref_slice %arg2[%multiple_of3A_377, %dma_start3A_380] : memref<1000000x16xf32, #tpu.memory_space<hbm>> -> memref<8x16xf32, #tpu.memory_space<hbm>>
        %dma_start3A_382 = arith.constant 0 : i32
        %dma_start3A_383 = tpu.memref_slice %arg11[%multiple_of3A_374, %dma_start3A_382] : memref<256x16xf32, #tpu.memory_space<vmem>> -> memref<8x16xf32, #tpu.memory_space<vmem>>
        %dma_start3A_384 = arith.constant 0 : i32
        %dma_start3A_385 = tpu.memref_slice %arg2[%multiple_of3A_377, %dma_start3A_384] : memref<1000000x16xf32, #tpu.memory_space<hbm>> -> memref<8x16xf32, #tpu.memory_space<hbm>>
        tpu.enqueue_dma source(%dma_start3A_385 : memref<8x16xf32, #tpu.memory_space<hbm>>) target(%dma_start3A_383 : memref<8x16xf32, #tpu.memory_space<vmem>>) target_semaphore(%arg15 : memref<!tpu.dma_semaphore, #tpu.memory_space<semaphore_mem>>)
        %slice3A_386 = vector.extract_strided_slice %shift_left3A_59 {offsets = [8], sizes = [1], strides = [1]} : vector<16xi32> to vector<1xi32>
        %squeeze3A_387 = vector.extract %slice3A_386[0] : i32 from vector<1xi32>
        %multiple_of3A_388 = tpu.assume_multiple %squeeze3A_387, 8 : i32
        %dma_start3A_389 = arith.constant 0 : i32
        %dma_start3A_390 = tpu.memref_slice %arg12[%multiple_of3A_374, %dma_start3A_389] : memref<256x16xf32, #tpu.memory_space<vmem>> -> memref<8x16xf32, #tpu.memory_space<vmem>>
        %dma_start3A_391 = arith.constant 0 : i32
        %dma_start3A_392 = tpu.memref_slice %arg3[%multiple_of3A_388, %dma_start3A_391] : memref<1000000x16xf32, #tpu.memory_space<hbm>> -> memref<8x16xf32, #tpu.memory_space<hbm>>
        %dma_start3A_393 = arith.constant 0 : i32
        %dma_start3A_394 = tpu.memref_slice %arg12[%multiple_of3A_374, %dma_start3A_393] : memref<256x16xf32, #tpu.memory_space<vmem>> -> memref<8x16xf32, #tpu.memory_space<vmem>>
        %dma_start3A_395 = arith.constant 0 : i32
        %dma_start3A_396 = tpu.memref_slice %arg3[%multiple_of3A_388, %dma_start3A_395] : memref<1000000x16xf32, #tpu.memory_space<hbm>> -> memref<8x16xf32, #tpu.memory_space<hbm>>
        tpu.enqueue_dma source(%dma_start3A_396 : memref<8x16xf32, #tpu.memory_space<hbm>>) target(%dma_start3A_394 : memref<8x16xf32, #tpu.memory_space<vmem>>) target_semaphore(%arg15 : memref<!tpu.dma_semaphore, #tpu.memory_space<semaphore_mem>>)
        %slice3A_397 = vector.extract_strided_slice %shift_left3A_68 {offsets = [8], sizes = [1], strides = [1]} : vector<16xi32> to vector<1xi32>
        %squeeze3A_398 = vector.extract %slice3A_397[0] : i32 from vector<1xi32>
        %multiple_of3A_399 = tpu.assume_multiple %squeeze3A_398, 8 : i32
        %dma_start3A_400 = arith.constant 0 : i32
        %dma_start3A_401 = tpu.memref_slice %arg13[%multiple_of3A_374, %dma_start3A_400] : memref<256x16xf32, #tpu.memory_space<vmem>> -> memref<8x16xf32, #tpu.memory_space<vmem>>
        %dma_start3A_402 = arith.constant 0 : i32
        %dma_start3A_403 = tpu.memref_slice %arg3[%multiple_of3A_399, %dma_start3A_402] : memref<1000000x16xf32, #tpu.memory_space<hbm>> -> memref<8x16xf32, #tpu.memory_space<hbm>>
        %dma_start3A_404 = arith.constant 0 : i32
        %dma_start3A_405 = tpu.memref_slice %arg13[%multiple_of3A_374, %dma_start3A_404] : memref<256x16xf32, #tpu.memory_space<vmem>> -> memref<8x16xf32, #tpu.memory_space<vmem>>
        %dma_start3A_406 = arith.constant 0 : i32
        %dma_start3A_407 = tpu.memref_slice %arg3[%multiple_of3A_399, %dma_start3A_406] : memref<1000000x16xf32, #tpu.memory_space<hbm>> -> memref<8x16xf32, #tpu.memory_space<hbm>>
        tpu.enqueue_dma source(%dma_start3A_407 : memref<8x16xf32, #tpu.memory_space<hbm>>) target(%dma_start3A_405 : memref<8x16xf32, #tpu.memory_space<vmem>>) target_semaphore(%arg15 : memref<!tpu.dma_semaphore, #tpu.memory_space<semaphore_mem>>)
        %add3A_408 = arith.constant 9 : i32
        %add3A_409 = arith.addi %multiple_of3A_44, %add3A_408 : i32
        %mul3A_410 = arith.constant 8 : i32
        %mul3A_411 = arith.muli %add3A_409, %mul3A_410 : i32
        %multiple_of3A_412 = tpu.assume_multiple %mul3A_411, 8 : i32
        %slice3A_413 = vector.extract_strided_slice %shift_left3A_50 {offsets = [9], sizes = [1], strides = [1]} : vector<16xi32> to vector<1xi32>
        %squeeze3A_414 = vector.extract %slice3A_413[0] : i32 from vector<1xi32>
        %multiple_of3A_415 = tpu.assume_multiple %squeeze3A_414, 8 : i32
        %dma_start3A_416 = arith.constant 0 : i32
        %dma_start3A_417 = tpu.memref_slice %arg11[%multiple_of3A_412, %dma_start3A_416] : memref<256x16xf32, #tpu.memory_space<vmem>> -> memref<8x16xf32, #tpu.memory_space<vmem>>
        %dma_start3A_418 = arith.constant 0 : i32
        %dma_start3A_419 = tpu.memref_slice %arg2[%multiple_of3A_415, %dma_start3A_418] : memref<1000000x16xf32, #tpu.memory_space<hbm>> -> memref<8x16xf32, #tpu.memory_space<hbm>>
        %dma_start3A_420 = arith.constant 0 : i32
        %dma_start3A_421 = tpu.memref_slice %arg11[%multiple_of3A_412, %dma_start3A_420] : memref<256x16xf32, #tpu.memory_space<vmem>> -> memref<8x16xf32, #tpu.memory_space<vmem>>
        %dma_start3A_422 = arith.constant 0 : i32
        %dma_start3A_423 = tpu.memref_slice %arg2[%multiple_of3A_415, %dma_start3A_422] : memref<1000000x16xf32, #tpu.memory_space<hbm>> -> memref<8x16xf32, #tpu.memory_space<hbm>>
        tpu.enqueue_dma source(%dma_start3A_423 : memref<8x16xf32, #tpu.memory_space<hbm>>) target(%dma_start3A_421 : memref<8x16xf32, #tpu.memory_space<vmem>>) target_semaphore(%arg15 : memref<!tpu.dma_semaphore, #tpu.memory_space<semaphore_mem>>)
        %slice3A_424 = vector.extract_strided_slice %shift_left3A_59 {offsets = [9], sizes = [1], strides = [1]} : vector<16xi32> to vector<1xi32>
        %squeeze3A_425 = vector.extract %slice3A_424[0] : i32 from vector<1xi32>
        %multiple_of3A_426 = tpu.assume_multiple %squeeze3A_425, 8 : i32
        %dma_start3A_427 = arith.constant 0 : i32
        %dma_start3A_428 = tpu.memref_slice %arg12[%multiple_of3A_412, %dma_start3A_427] : memref<256x16xf32, #tpu.memory_space<vmem>> -> memref<8x16xf32, #tpu.memory_space<vmem>>
        %dma_start3A_429 = arith.constant 0 : i32
        %dma_start3A_430 = tpu.memref_slice %arg3[%multiple_of3A_426, %dma_start3A_429] : memref<1000000x16xf32, #tpu.memory_space<hbm>> -> memref<8x16xf32, #tpu.memory_space<hbm>>
        %dma_start3A_431 = arith.constant 0 : i32
        %dma_start3A_432 = tpu.memref_slice %arg12[%multiple_of3A_412, %dma_start3A_431] : memref<256x16xf32, #tpu.memory_space<vmem>> -> memref<8x16xf32, #tpu.memory_space<vmem>>
        %dma_start3A_433 = arith.constant 0 : i32
        %dma_start3A_434 = tpu.memref_slice %arg3[%multiple_of3A_426, %dma_start3A_433] : memref<1000000x16xf32, #tpu.memory_space<hbm>> -> memref<8x16xf32, #tpu.memory_space<hbm>>
        tpu.enqueue_dma source(%dma_start3A_434 : memref<8x16xf32, #tpu.memory_space<hbm>>) target(%dma_start3A_432 : memref<8x16xf32, #tpu.memory_space<vmem>>) target_semaphore(%arg15 : memref<!tpu.dma_semaphore, #tpu.memory_space<semaphore_mem>>)
        %slice3A_435 = vector.extract_strided_slice %shift_left3A_68 {offsets = [9], sizes = [1], strides = [1]} : vector<16xi32> to vector<1xi32>
        %squeeze3A_436 = vector.extract %slice3A_435[0] : i32 from vector<1xi32>
        %multiple_of3A_437 = tpu.assume_multiple %squeeze3A_436, 8 : i32
        %dma_start3A_438 = arith.constant 0 : i32
        %dma_start3A_439 = tpu.memref_slice %arg13[%multiple_of3A_412, %dma_start3A_438] : memref<256x16xf32, #tpu.memory_space<vmem>> -> memref<8x16xf32, #tpu.memory_space<vmem>>
        %dma_start3A_440 = arith.constant 0 : i32
        %dma_start3A_441 = tpu.memref_slice %arg3[%multiple_of3A_437, %dma_start3A_440] : memref<1000000x16xf32, #tpu.memory_space<hbm>> -> memref<8x16xf32, #tpu.memory_space<hbm>>
        %dma_start3A_442 = arith.constant 0 : i32
        %dma_start3A_443 = tpu.memref_slice %arg13[%multiple_of3A_412, %dma_start3A_442] : memref<256x16xf32, #tpu.memory_space<vmem>> -> memref<8x16xf32, #tpu.memory_space<vmem>>
        %dma_start3A_444 = arith.constant 0 : i32
        %dma_start3A_445 = tpu.memref_slice %arg3[%multiple_of3A_437, %dma_start3A_444] : memref<1000000x16xf32, #tpu.memory_space<hbm>> -> memref<8x16xf32, #tpu.memory_space<hbm>>
        tpu.enqueue_dma source(%dma_start3A_445 : memref<8x16xf32, #tpu.memory_space<hbm>>) target(%dma_start3A_443 : memref<8x16xf32, #tpu.memory_space<vmem>>) target_semaphore(%arg15 : memref<!tpu.dma_semaphore, #tpu.memory_space<semaphore_mem>>)
        %add3A_446 = arith.constant 10 : i32
        %add3A_447 = arith.addi %multiple_of3A_44, %add3A_446 : i32
        %mul3A_448 = arith.constant 8 : i32
        %mul3A_449 = arith.muli %add3A_447, %mul3A_448 : i32
        %multiple_of3A_450 = tpu.assume_multiple %mul3A_449, 8 : i32
        %slice3A_451 = vector.extract_strided_slice %shift_left3A_50 {offsets = [10], sizes = [1], strides = [1]} : vector<16xi32> to vector<1xi32>
        %squeeze3A_452 = vector.extract %slice3A_451[0] : i32 from vector<1xi32>
        %multiple_of3A_453 = tpu.assume_multiple %squeeze3A_452, 8 : i32
        %dma_start3A_454 = arith.constant 0 : i32
        %dma_start3A_455 = tpu.memref_slice %arg11[%multiple_of3A_450, %dma_start3A_454] : memref<256x16xf32, #tpu.memory_space<vmem>> -> memref<8x16xf32, #tpu.memory_space<vmem>>
        %dma_start3A_456 = arith.constant 0 : i32
        %dma_start3A_457 = tpu.memref_slice %arg2[%multiple_of3A_453, %dma_start3A_456] : memref<1000000x16xf32, #tpu.memory_space<hbm>> -> memref<8x16xf32, #tpu.memory_space<hbm>>
        %dma_start3A_458 = arith.constant 0 : i32
        %dma_start3A_459 = tpu.memref_slice %arg11[%multiple_of3A_450, %dma_start3A_458] : memref<256x16xf32, #tpu.memory_space<vmem>> -> memref<8x16xf32, #tpu.memory_space<vmem>>
        %dma_start3A_460 = arith.constant 0 : i32
        %dma_start3A_461 = tpu.memref_slice %arg2[%multiple_of3A_453, %dma_start3A_460] : memref<1000000x16xf32, #tpu.memory_space<hbm>> -> memref<8x16xf32, #tpu.memory_space<hbm>>
        tpu.enqueue_dma source(%dma_start3A_461 : memref<8x16xf32, #tpu.memory_space<hbm>>) target(%dma_start3A_459 : memref<8x16xf32, #tpu.memory_space<vmem>>) target_semaphore(%arg15 : memref<!tpu.dma_semaphore, #tpu.memory_space<semaphore_mem>>)
        %slice3A_462 = vector.extract_strided_slice %shift_left3A_59 {offsets = [10], sizes = [1], strides = [1]} : vector<16xi32> to vector<1xi32>
        %squeeze3A_463 = vector.extract %slice3A_462[0] : i32 from vector<1xi32>
        %multiple_of3A_464 = tpu.assume_multiple %squeeze3A_463, 8 : i32
        %dma_start3A_465 = arith.constant 0 : i32
        %dma_start3A_466 = tpu.memref_slice %arg12[%multiple_of3A_450, %dma_start3A_465] : memref<256x16xf32, #tpu.memory_space<vmem>> -> memref<8x16xf32, #tpu.memory_space<vmem>>
        %dma_start3A_467 = arith.constant 0 : i32
        %dma_start3A_468 = tpu.memref_slice %arg3[%multiple_of3A_464, %dma_start3A_467] : memref<1000000x16xf32, #tpu.memory_space<hbm>> -> memref<8x16xf32, #tpu.memory_space<hbm>>
        %dma_start3A_469 = arith.constant 0 : i32
        %dma_start3A_470 = tpu.memref_slice %arg12[%multiple_of3A_450, %dma_start3A_469] : memref<256x16xf32, #tpu.memory_space<vmem>> -> memref<8x16xf32, #tpu.memory_space<vmem>>
        %dma_start3A_471 = arith.constant 0 : i32
        %dma_start3A_472 = tpu.memref_slice %arg3[%multiple_of3A_464, %dma_start3A_471] : memref<1000000x16xf32, #tpu.memory_space<hbm>> -> memref<8x16xf32, #tpu.memory_space<hbm>>
        tpu.enqueue_dma source(%dma_start3A_472 : memref<8x16xf32, #tpu.memory_space<hbm>>) target(%dma_start3A_470 : memref<8x16xf32, #tpu.memory_space<vmem>>) target_semaphore(%arg15 : memref<!tpu.dma_semaphore, #tpu.memory_space<semaphore_mem>>)
        %slice3A_473 = vector.extract_strided_slice %shift_left3A_68 {offsets = [10], sizes = [1], strides = [1]} : vector<16xi32> to vector<1xi32>
        %squeeze3A_474 = vector.extract %slice3A_473[0] : i32 from vector<1xi32>
        %multiple_of3A_475 = tpu.assume_multiple %squeeze3A_474, 8 : i32
        %dma_start3A_476 = arith.constant 0 : i32
        %dma_start3A_477 = tpu.memref_slice %arg13[%multiple_of3A_450, %dma_start3A_476] : memref<256x16xf32, #tpu.memory_space<vmem>> -> memref<8x16xf32, #tpu.memory_space<vmem>>
        %dma_start3A_478 = arith.constant 0 : i32
        %dma_start3A_479 = tpu.memref_slice %arg3[%multiple_of3A_475, %dma_start3A_478] : memref<1000000x16xf32, #tpu.memory_space<hbm>> -> memref<8x16xf32, #tpu.memory_space<hbm>>
        %dma_start3A_480 = arith.constant 0 : i32
        %dma_start3A_481 = tpu.memref_slice %arg13[%multiple_of3A_450, %dma_start3A_480] : memref<256x16xf32, #tpu.memory_space<vmem>> -> memref<8x16xf32, #tpu.memory_space<vmem>>
        %dma_start3A_482 = arith.constant 0 : i32
        %dma_start3A_483 = tpu.memref_slice %arg3[%multiple_of3A_475, %dma_start3A_482] : memref<1000000x16xf32, #tpu.memory_space<hbm>> -> memref<8x16xf32, #tpu.memory_space<hbm>>
        tpu.enqueue_dma source(%dma_start3A_483 : memref<8x16xf32, #tpu.memory_space<hbm>>) target(%dma_start3A_481 : memref<8x16xf32, #tpu.memory_space<vmem>>) target_semaphore(%arg15 : memref<!tpu.dma_semaphore, #tpu.memory_space<semaphore_mem>>)
        %add3A_484 = arith.constant 11 : i32
        %add3A_485 = arith.addi %multiple_of3A_44, %add3A_484 : i32
        %mul3A_486 = arith.constant 8 : i32
        %mul3A_487 = arith.muli %add3A_485, %mul3A_486 : i32
        %multiple_of3A_488 = tpu.assume_multiple %mul3A_487, 8 : i32
        %slice3A_489 = vector.extract_strided_slice %shift_left3A_50 {offsets = [11], sizes = [1], strides = [1]} : vector<16xi32> to vector<1xi32>
        %squeeze3A_490 = vector.extract %slice3A_489[0] : i32 from vector<1xi32>
        %multiple_of3A_491 = tpu.assume_multiple %squeeze3A_490, 8 : i32
        %dma_start3A_492 = arith.constant 0 : i32
        %dma_start3A_493 = tpu.memref_slice %arg11[%multiple_of3A_488, %dma_start3A_492] : memref<256x16xf32, #tpu.memory_space<vmem>> -> memref<8x16xf32, #tpu.memory_space<vmem>>
        %dma_start3A_494 = arith.constant 0 : i32
        %dma_start3A_495 = tpu.memref_slice %arg2[%multiple_of3A_491, %dma_start3A_494] : memref<1000000x16xf32, #tpu.memory_space<hbm>> -> memref<8x16xf32, #tpu.memory_space<hbm>>
        %dma_start3A_496 = arith.constant 0 : i32
        %dma_start3A_497 = tpu.memref_slice %arg11[%multiple_of3A_488, %dma_start3A_496] : memref<256x16xf32, #tpu.memory_space<vmem>> -> memref<8x16xf32, #tpu.memory_space<vmem>>
        %dma_start3A_498 = arith.constant 0 : i32
        %dma_start3A_499 = tpu.memref_slice %arg2[%multiple_of3A_491, %dma_start3A_498] : memref<1000000x16xf32, #tpu.memory_space<hbm>> -> memref<8x16xf32, #tpu.memory_space<hbm>>
        tpu.enqueue_dma source(%dma_start3A_499 : memref<8x16xf32, #tpu.memory_space<hbm>>) target(%dma_start3A_497 : memref<8x16xf32, #tpu.memory_space<vmem>>) target_semaphore(%arg15 : memref<!tpu.dma_semaphore, #tpu.memory_space<semaphore_mem>>)
        %slice3A_500 = vector.extract_strided_slice %shift_left3A_59 {offsets = [11], sizes = [1], strides = [1]} : vector<16xi32> to vector<1xi32>
        %squeeze3A_501 = vector.extract %slice3A_500[0] : i32 from vector<1xi32>
        %multiple_of3A_502 = tpu.assume_multiple %squeeze3A_501, 8 : i32
        %dma_start3A_503 = arith.constant 0 : i32
        %dma_start3A_504 = tpu.memref_slice %arg12[%multiple_of3A_488, %dma_start3A_503] : memref<256x16xf32, #tpu.memory_space<vmem>> -> memref<8x16xf32, #tpu.memory_space<vmem>>
        %dma_start3A_505 = arith.constant 0 : i32
        %dma_start3A_506 = tpu.memref_slice %arg3[%multiple_of3A_502, %dma_start3A_505] : memref<1000000x16xf32, #tpu.memory_space<hbm>> -> memref<8x16xf32, #tpu.memory_space<hbm>>
        %dma_start3A_507 = arith.constant 0 : i32
        %dma_start3A_508 = tpu.memref_slice %arg12[%multiple_of3A_488, %dma_start3A_507] : memref<256x16xf32, #tpu.memory_space<vmem>> -> memref<8x16xf32, #tpu.memory_space<vmem>>
        %dma_start3A_509 = arith.constant 0 : i32
        %dma_start3A_510 = tpu.memref_slice %arg3[%multiple_of3A_502, %dma_start3A_509] : memref<1000000x16xf32, #tpu.memory_space<hbm>> -> memref<8x16xf32, #tpu.memory_space<hbm>>
        tpu.enqueue_dma source(%dma_start3A_510 : memref<8x16xf32, #tpu.memory_space<hbm>>) target(%dma_start3A_508 : memref<8x16xf32, #tpu.memory_space<vmem>>) target_semaphore(%arg15 : memref<!tpu.dma_semaphore, #tpu.memory_space<semaphore_mem>>)
        %slice3A_511 = vector.extract_strided_slice %shift_left3A_68 {offsets = [11], sizes = [1], strides = [1]} : vector<16xi32> to vector<1xi32>
        %squeeze3A_512 = vector.extract %slice3A_511[0] : i32 from vector<1xi32>
        %multiple_of3A_513 = tpu.assume_multiple %squeeze3A_512, 8 : i32
        %dma_start3A_514 = arith.constant 0 : i32
        %dma_start3A_515 = tpu.memref_slice %arg13[%multiple_of3A_488, %dma_start3A_514] : memref<256x16xf32, #tpu.memory_space<vmem>> -> memref<8x16xf32, #tpu.memory_space<vmem>>
        %dma_start3A_516 = arith.constant 0 : i32
        %dma_start3A_517 = tpu.memref_slice %arg3[%multiple_of3A_513, %dma_start3A_516] : memref<1000000x16xf32, #tpu.memory_space<hbm>> -> memref<8x16xf32, #tpu.memory_space<hbm>>
        %dma_start3A_518 = arith.constant 0 : i32
        %dma_start3A_519 = tpu.memref_slice %arg13[%multiple_of3A_488, %dma_start3A_518] : memref<256x16xf32, #tpu.memory_space<vmem>> -> memref<8x16xf32, #tpu.memory_space<vmem>>
        %dma_start3A_520 = arith.constant 0 : i32
        %dma_start3A_521 = tpu.memref_slice %arg3[%multiple_of3A_513, %dma_start3A_520] : memref<1000000x16xf32, #tpu.memory_space<hbm>> -> memref<8x16xf32, #tpu.memory_space<hbm>>
        tpu.enqueue_dma source(%dma_start3A_521 : memref<8x16xf32, #tpu.memory_space<hbm>>) target(%dma_start3A_519 : memref<8x16xf32, #tpu.memory_space<vmem>>) target_semaphore(%arg15 : memref<!tpu.dma_semaphore, #tpu.memory_space<semaphore_mem>>)
        %add3A_522 = arith.constant 12 : i32
        %add3A_523 = arith.addi %multiple_of3A_44, %add3A_522 : i32
        %mul3A_524 = arith.constant 8 : i32
        %mul3A_525 = arith.muli %add3A_523, %mul3A_524 : i32
        %multiple_of3A_526 = tpu.assume_multiple %mul3A_525, 8 : i32
        %slice3A_527 = vector.extract_strided_slice %shift_left3A_50 {offsets = [12], sizes = [1], strides = [1]} : vector<16xi32> to vector<1xi32>
        %squeeze3A_528 = vector.extract %slice3A_527[0] : i32 from vector<1xi32>
        %multiple_of3A_529 = tpu.assume_multiple %squeeze3A_528, 8 : i32
        %dma_start3A_530 = arith.constant 0 : i32
        %dma_start3A_531 = tpu.memref_slice %arg11[%multiple_of3A_526, %dma_start3A_530] : memref<256x16xf32, #tpu.memory_space<vmem>> -> memref<8x16xf32, #tpu.memory_space<vmem>>
        %dma_start3A_532 = arith.constant 0 : i32
        %dma_start3A_533 = tpu.memref_slice %arg2[%multiple_of3A_529, %dma_start3A_532] : memref<1000000x16xf32, #tpu.memory_space<hbm>> -> memref<8x16xf32, #tpu.memory_space<hbm>>
        %dma_start3A_534 = arith.constant 0 : i32
        %dma_start3A_535 = tpu.memref_slice %arg11[%multiple_of3A_526, %dma_start3A_534] : memref<256x16xf32, #tpu.memory_space<vmem>> -> memref<8x16xf32, #tpu.memory_space<vmem>>
        %dma_start3A_536 = arith.constant 0 : i32
        %dma_start3A_537 = tpu.memref_slice %arg2[%multiple_of3A_529, %dma_start3A_536] : memref<1000000x16xf32, #tpu.memory_space<hbm>> -> memref<8x16xf32, #tpu.memory_space<hbm>>
        tpu.enqueue_dma source(%dma_start3A_537 : memref<8x16xf32, #tpu.memory_space<hbm>>) target(%dma_start3A_535 : memref<8x16xf32, #tpu.memory_space<vmem>>) target_semaphore(%arg15 : memref<!tpu.dma_semaphore, #tpu.memory_space<semaphore_mem>>)
        %slice3A_538 = vector.extract_strided_slice %shift_left3A_59 {offsets = [12], sizes = [1], strides = [1]} : vector<16xi32> to vector<1xi32>
        %squeeze3A_539 = vector.extract %slice3A_538[0] : i32 from vector<1xi32>
        %multiple_of3A_540 = tpu.assume_multiple %squeeze3A_539, 8 : i32
        %dma_start3A_541 = arith.constant 0 : i32
        %dma_start3A_542 = tpu.memref_slice %arg12[%multiple_of3A_526, %dma_start3A_541] : memref<256x16xf32, #tpu.memory_space<vmem>> -> memref<8x16xf32, #tpu.memory_space<vmem>>
        %dma_start3A_543 = arith.constant 0 : i32
        %dma_start3A_544 = tpu.memref_slice %arg3[%multiple_of3A_540, %dma_start3A_543] : memref<1000000x16xf32, #tpu.memory_space<hbm>> -> memref<8x16xf32, #tpu.memory_space<hbm>>
        %dma_start3A_545 = arith.constant 0 : i32
        %dma_start3A_546 = tpu.memref_slice %arg12[%multiple_of3A_526, %dma_start3A_545] : memref<256x16xf32, #tpu.memory_space<vmem>> -> memref<8x16xf32, #tpu.memory_space<vmem>>
        %dma_start3A_547 = arith.constant 0 : i32
        %dma_start3A_548 = tpu.memref_slice %arg3[%multiple_of3A_540, %dma_start3A_547] : memref<1000000x16xf32, #tpu.memory_space<hbm>> -> memref<8x16xf32, #tpu.memory_space<hbm>>
        tpu.enqueue_dma source(%dma_start3A_548 : memref<8x16xf32, #tpu.memory_space<hbm>>) target(%dma_start3A_546 : memref<8x16xf32, #tpu.memory_space<vmem>>) target_semaphore(%arg15 : memref<!tpu.dma_semaphore, #tpu.memory_space<semaphore_mem>>)
        %slice3A_549 = vector.extract_strided_slice %shift_left3A_68 {offsets = [12], sizes = [1], strides = [1]} : vector<16xi32> to vector<1xi32>
        %squeeze3A_550 = vector.extract %slice3A_549[0] : i32 from vector<1xi32>
        %multiple_of3A_551 = tpu.assume_multiple %squeeze3A_550, 8 : i32
        %dma_start3A_552 = arith.constant 0 : i32
        %dma_start3A_553 = tpu.memref_slice %arg13[%multiple_of3A_526, %dma_start3A_552] : memref<256x16xf32, #tpu.memory_space<vmem>> -> memref<8x16xf32, #tpu.memory_space<vmem>>
        %dma_start3A_554 = arith.constant 0 : i32
        %dma_start3A_555 = tpu.memref_slice %arg3[%multiple_of3A_551, %dma_start3A_554] : memref<1000000x16xf32, #tpu.memory_space<hbm>> -> memref<8x16xf32, #tpu.memory_space<hbm>>
        %dma_start3A_556 = arith.constant 0 : i32
        %dma_start3A_557 = tpu.memref_slice %arg13[%multiple_of3A_526, %dma_start3A_556] : memref<256x16xf32, #tpu.memory_space<vmem>> -> memref<8x16xf32, #tpu.memory_space<vmem>>
        %dma_start3A_558 = arith.constant 0 : i32
        %dma_start3A_559 = tpu.memref_slice %arg3[%multiple_of3A_551, %dma_start3A_558] : memref<1000000x16xf32, #tpu.memory_space<hbm>> -> memref<8x16xf32, #tpu.memory_space<hbm>>
        tpu.enqueue_dma source(%dma_start3A_559 : memref<8x16xf32, #tpu.memory_space<hbm>>) target(%dma_start3A_557 : memref<8x16xf32, #tpu.memory_space<vmem>>) target_semaphore(%arg15 : memref<!tpu.dma_semaphore, #tpu.memory_space<semaphore_mem>>)
        %add3A_560 = arith.constant 13 : i32
        %add3A_561 = arith.addi %multiple_of3A_44, %add3A_560 : i32
        %mul3A_562 = arith.constant 8 : i32
        %mul3A_563 = arith.muli %add3A_561, %mul3A_562 : i32
        %multiple_of3A_564 = tpu.assume_multiple %mul3A_563, 8 : i32
        %slice3A_565 = vector.extract_strided_slice %shift_left3A_50 {offsets = [13], sizes = [1], strides = [1]} : vector<16xi32> to vector<1xi32>
        %squeeze3A_566 = vector.extract %slice3A_565[0] : i32 from vector<1xi32>
        %multiple_of3A_567 = tpu.assume_multiple %squeeze3A_566, 8 : i32
        %dma_start3A_568 = arith.constant 0 : i32
        %dma_start3A_569 = tpu.memref_slice %arg11[%multiple_of3A_564, %dma_start3A_568] : memref<256x16xf32, #tpu.memory_space<vmem>> -> memref<8x16xf32, #tpu.memory_space<vmem>>
        %dma_start3A_570 = arith.constant 0 : i32
        %dma_start3A_571 = tpu.memref_slice %arg2[%multiple_of3A_567, %dma_start3A_570] : memref<1000000x16xf32, #tpu.memory_space<hbm>> -> memref<8x16xf32, #tpu.memory_space<hbm>>
        %dma_start3A_572 = arith.constant 0 : i32
        %dma_start3A_573 = tpu.memref_slice %arg11[%multiple_of3A_564, %dma_start3A_572] : memref<256x16xf32, #tpu.memory_space<vmem>> -> memref<8x16xf32, #tpu.memory_space<vmem>>
        %dma_start3A_574 = arith.constant 0 : i32
        %dma_start3A_575 = tpu.memref_slice %arg2[%multiple_of3A_567, %dma_start3A_574] : memref<1000000x16xf32, #tpu.memory_space<hbm>> -> memref<8x16xf32, #tpu.memory_space<hbm>>
        tpu.enqueue_dma source(%dma_start3A_575 : memref<8x16xf32, #tpu.memory_space<hbm>>) target(%dma_start3A_573 : memref<8x16xf32, #tpu.memory_space<vmem>>) target_semaphore(%arg15 : memref<!tpu.dma_semaphore, #tpu.memory_space<semaphore_mem>>)
        %slice3A_576 = vector.extract_strided_slice %shift_left3A_59 {offsets = [13], sizes = [1], strides = [1]} : vector<16xi32> to vector<1xi32>
        %squeeze3A_577 = vector.extract %slice3A_576[0] : i32 from vector<1xi32>
        %multiple_of3A_578 = tpu.assume_multiple %squeeze3A_577, 8 : i32
        %dma_start3A_579 = arith.constant 0 : i32
        %dma_start3A_580 = tpu.memref_slice %arg12[%multiple_of3A_564, %dma_start3A_579] : memref<256x16xf32, #tpu.memory_space<vmem>> -> memref<8x16xf32, #tpu.memory_space<vmem>>
        %dma_start3A_581 = arith.constant 0 : i32
        %dma_start3A_582 = tpu.memref_slice %arg3[%multiple_of3A_578, %dma_start3A_581] : memref<1000000x16xf32, #tpu.memory_space<hbm>> -> memref<8x16xf32, #tpu.memory_space<hbm>>
        %dma_start3A_583 = arith.constant 0 : i32
        %dma_start3A_584 = tpu.memref_slice %arg12[%multiple_of3A_564, %dma_start3A_583] : memref<256x16xf32, #tpu.memory_space<vmem>> -> memref<8x16xf32, #tpu.memory_space<vmem>>
        %dma_start3A_585 = arith.constant 0 : i32
        %dma_start3A_586 = tpu.memref_slice %arg3[%multiple_of3A_578, %dma_start3A_585] : memref<1000000x16xf32, #tpu.memory_space<hbm>> -> memref<8x16xf32, #tpu.memory_space<hbm>>
        tpu.enqueue_dma source(%dma_start3A_586 : memref<8x16xf32, #tpu.memory_space<hbm>>) target(%dma_start3A_584 : memref<8x16xf32, #tpu.memory_space<vmem>>) target_semaphore(%arg15 : memref<!tpu.dma_semaphore, #tpu.memory_space<semaphore_mem>>)
        %slice3A_587 = vector.extract_strided_slice %shift_left3A_68 {offsets = [13], sizes = [1], strides = [1]} : vector<16xi32> to vector<1xi32>
        %squeeze3A_588 = vector.extract %slice3A_587[0] : i32 from vector<1xi32>
        %multiple_of3A_589 = tpu.assume_multiple %squeeze3A_588, 8 : i32
        %dma_start3A_590 = arith.constant 0 : i32
        %dma_start3A_591 = tpu.memref_slice %arg13[%multiple_of3A_564, %dma_start3A_590] : memref<256x16xf32, #tpu.memory_space<vmem>> -> memref<8x16xf32, #tpu.memory_space<vmem>>
        %dma_start3A_592 = arith.constant 0 : i32
        %dma_start3A_593 = tpu.memref_slice %arg3[%multiple_of3A_589, %dma_start3A_592] : memref<1000000x16xf32, #tpu.memory_space<hbm>> -> memref<8x16xf32, #tpu.memory_space<hbm>>
        %dma_start3A_594 = arith.constant 0 : i32
        %dma_start3A_595 = tpu.memref_slice %arg13[%multiple_of3A_564, %dma_start3A_594] : memref<256x16xf32, #tpu.memory_space<vmem>> -> memref<8x16xf32, #tpu.memory_space<vmem>>
        %dma_start3A_596 = arith.constant 0 : i32
        %dma_start3A_597 = tpu.memref_slice %arg3[%multiple_of3A_589, %dma_start3A_596] : memref<1000000x16xf32, #tpu.memory_space<hbm>> -> memref<8x16xf32, #tpu.memory_space<hbm>>
        tpu.enqueue_dma source(%dma_start3A_597 : memref<8x16xf32, #tpu.memory_space<hbm>>) target(%dma_start3A_595 : memref<8x16xf32, #tpu.memory_space<vmem>>) target_semaphore(%arg15 : memref<!tpu.dma_semaphore, #tpu.memory_space<semaphore_mem>>)
        %add3A_598 = arith.constant 14 : i32
        %add3A_599 = arith.addi %multiple_of3A_44, %add3A_598 : i32
        %mul3A_600 = arith.constant 8 : i32
        %mul3A_601 = arith.muli %add3A_599, %mul3A_600 : i32
        %multiple_of3A_602 = tpu.assume_multiple %mul3A_601, 8 : i32
        %slice3A_603 = vector.extract_strided_slice %shift_left3A_50 {offsets = [14], sizes = [1], strides = [1]} : vector<16xi32> to vector<1xi32>
        %squeeze3A_604 = vector.extract %slice3A_603[0] : i32 from vector<1xi32>
        %multiple_of3A_605 = tpu.assume_multiple %squeeze3A_604, 8 : i32
        %dma_start3A_606 = arith.constant 0 : i32
        %dma_start3A_607 = tpu.memref_slice %arg11[%multiple_of3A_602, %dma_start3A_606] : memref<256x16xf32, #tpu.memory_space<vmem>> -> memref<8x16xf32, #tpu.memory_space<vmem>>
        %dma_start3A_608 = arith.constant 0 : i32
        %dma_start3A_609 = tpu.memref_slice %arg2[%multiple_of3A_605, %dma_start3A_608] : memref<1000000x16xf32, #tpu.memory_space<hbm>> -> memref<8x16xf32, #tpu.memory_space<hbm>>
        %dma_start3A_610 = arith.constant 0 : i32
        %dma_start3A_611 = tpu.memref_slice %arg11[%multiple_of3A_602, %dma_start3A_610] : memref<256x16xf32, #tpu.memory_space<vmem>> -> memref<8x16xf32, #tpu.memory_space<vmem>>
        %dma_start3A_612 = arith.constant 0 : i32
        %dma_start3A_613 = tpu.memref_slice %arg2[%multiple_of3A_605, %dma_start3A_612] : memref<1000000x16xf32, #tpu.memory_space<hbm>> -> memref<8x16xf32, #tpu.memory_space<hbm>>
        tpu.enqueue_dma source(%dma_start3A_613 : memref<8x16xf32, #tpu.memory_space<hbm>>) target(%dma_start3A_611 : memref<8x16xf32, #tpu.memory_space<vmem>>) target_semaphore(%arg15 : memref<!tpu.dma_semaphore, #tpu.memory_space<semaphore_mem>>)
        %slice3A_614 = vector.extract_strided_slice %shift_left3A_59 {offsets = [14], sizes = [1], strides = [1]} : vector<16xi32> to vector<1xi32>
        %squeeze3A_615 = vector.extract %slice3A_614[0] : i32 from vector<1xi32>
        %multiple_of3A_616 = tpu.assume_multiple %squeeze3A_615, 8 : i32
        %dma_start3A_617 = arith.constant 0 : i32
        %dma_start3A_618 = tpu.memref_slice %arg12[%multiple_of3A_602, %dma_start3A_617] : memref<256x16xf32, #tpu.memory_space<vmem>> -> memref<8x16xf32, #tpu.memory_space<vmem>>
        %dma_start3A_619 = arith.constant 0 : i32
        %dma_start3A_620 = tpu.memref_slice %arg3[%multiple_of3A_616, %dma_start3A_619] : memref<1000000x16xf32, #tpu.memory_space<hbm>> -> memref<8x16xf32, #tpu.memory_space<hbm>>
        %dma_start3A_621 = arith.constant 0 : i32
        %dma_start3A_622 = tpu.memref_slice %arg12[%multiple_of3A_602, %dma_start3A_621] : memref<256x16xf32, #tpu.memory_space<vmem>> -> memref<8x16xf32, #tpu.memory_space<vmem>>
        %dma_start3A_623 = arith.constant 0 : i32
        %dma_start3A_624 = tpu.memref_slice %arg3[%multiple_of3A_616, %dma_start3A_623] : memref<1000000x16xf32, #tpu.memory_space<hbm>> -> memref<8x16xf32, #tpu.memory_space<hbm>>
        tpu.enqueue_dma source(%dma_start3A_624 : memref<8x16xf32, #tpu.memory_space<hbm>>) target(%dma_start3A_622 : memref<8x16xf32, #tpu.memory_space<vmem>>) target_semaphore(%arg15 : memref<!tpu.dma_semaphore, #tpu.memory_space<semaphore_mem>>)
        %slice3A_625 = vector.extract_strided_slice %shift_left3A_68 {offsets = [14], sizes = [1], strides = [1]} : vector<16xi32> to vector<1xi32>
        %squeeze3A_626 = vector.extract %slice3A_625[0] : i32 from vector<1xi32>
        %multiple_of3A_627 = tpu.assume_multiple %squeeze3A_626, 8 : i32
        %dma_start3A_628 = arith.constant 0 : i32
        %dma_start3A_629 = tpu.memref_slice %arg13[%multiple_of3A_602, %dma_start3A_628] : memref<256x16xf32, #tpu.memory_space<vmem>> -> memref<8x16xf32, #tpu.memory_space<vmem>>
        %dma_start3A_630 = arith.constant 0 : i32
        %dma_start3A_631 = tpu.memref_slice %arg3[%multiple_of3A_627, %dma_start3A_630] : memref<1000000x16xf32, #tpu.memory_space<hbm>> -> memref<8x16xf32, #tpu.memory_space<hbm>>
        %dma_start3A_632 = arith.constant 0 : i32
        %dma_start3A_633 = tpu.memref_slice %arg13[%multiple_of3A_602, %dma_start3A_632] : memref<256x16xf32, #tpu.memory_space<vmem>> -> memref<8x16xf32, #tpu.memory_space<vmem>>
        %dma_start3A_634 = arith.constant 0 : i32
        %dma_start3A_635 = tpu.memref_slice %arg3[%multiple_of3A_627, %dma_start3A_634] : memref<1000000x16xf32, #tpu.memory_space<hbm>> -> memref<8x16xf32, #tpu.memory_space<hbm>>
        tpu.enqueue_dma source(%dma_start3A_635 : memref<8x16xf32, #tpu.memory_space<hbm>>) target(%dma_start3A_633 : memref<8x16xf32, #tpu.memory_space<vmem>>) target_semaphore(%arg15 : memref<!tpu.dma_semaphore, #tpu.memory_space<semaphore_mem>>)
        %add3A_636 = arith.constant 15 : i32
        %add3A_637 = arith.addi %multiple_of3A_44, %add3A_636 : i32
        %mul3A_638 = arith.constant 8 : i32
        %mul3A_639 = arith.muli %add3A_637, %mul3A_638 : i32
        %multiple_of3A_640 = tpu.assume_multiple %mul3A_639, 8 : i32
        %slice3A_641 = vector.extract_strided_slice %shift_left3A_50 {offsets = [15], sizes = [1], strides = [1]} : vector<16xi32> to vector<1xi32>
        %squeeze3A_642 = vector.extract %slice3A_641[0] : i32 from vector<1xi32>
        %multiple_of3A_643 = tpu.assume_multiple %squeeze3A_642, 8 : i32
        %dma_start3A_644 = arith.constant 0 : i32
        %dma_start3A_645 = tpu.memref_slice %arg11[%multiple_of3A_640, %dma_start3A_644] : memref<256x16xf32, #tpu.memory_space<vmem>> -> memref<8x16xf32, #tpu.memory_space<vmem>>
        %dma_start3A_646 = arith.constant 0 : i32
        %dma_start3A_647 = tpu.memref_slice %arg2[%multiple_of3A_643, %dma_start3A_646] : memref<1000000x16xf32, #tpu.memory_space<hbm>> -> memref<8x16xf32, #tpu.memory_space<hbm>>
        %dma_start3A_648 = arith.constant 0 : i32
        %dma_start3A_649 = tpu.memref_slice %arg11[%multiple_of3A_640, %dma_start3A_648] : memref<256x16xf32, #tpu.memory_space<vmem>> -> memref<8x16xf32, #tpu.memory_space<vmem>>
        %dma_start3A_650 = arith.constant 0 : i32
        %dma_start3A_651 = tpu.memref_slice %arg2[%multiple_of3A_643, %dma_start3A_650] : memref<1000000x16xf32, #tpu.memory_space<hbm>> -> memref<8x16xf32, #tpu.memory_space<hbm>>
        tpu.enqueue_dma source(%dma_start3A_651 : memref<8x16xf32, #tpu.memory_space<hbm>>) target(%dma_start3A_649 : memref<8x16xf32, #tpu.memory_space<vmem>>) target_semaphore(%arg15 : memref<!tpu.dma_semaphore, #tpu.memory_space<semaphore_mem>>)
        %slice3A_652 = vector.extract_strided_slice %shift_left3A_59 {offsets = [15], sizes = [1], strides = [1]} : vector<16xi32> to vector<1xi32>
        %squeeze3A_653 = vector.extract %slice3A_652[0] : i32 from vector<1xi32>
        %multiple_of3A_654 = tpu.assume_multiple %squeeze3A_653, 8 : i32
        %dma_start3A_655 = arith.constant 0 : i32
        %dma_start3A_656 = tpu.memref_slice %arg12[%multiple_of3A_640, %dma_start3A_655] : memref<256x16xf32, #tpu.memory_space<vmem>> -> memref<8x16xf32, #tpu.memory_space<vmem>>
        %dma_start3A_657 = arith.constant 0 : i32
        %dma_start3A_658 = tpu.memref_slice %arg3[%multiple_of3A_654, %dma_start3A_657] : memref<1000000x16xf32, #tpu.memory_space<hbm>> -> memref<8x16xf32, #tpu.memory_space<hbm>>
        %dma_start3A_659 = arith.constant 0 : i32
        %dma_start3A_660 = tpu.memref_slice %arg12[%multiple_of3A_640, %dma_start3A_659] : memref<256x16xf32, #tpu.memory_space<vmem>> -> memref<8x16xf32, #tpu.memory_space<vmem>>
        %dma_start3A_661 = arith.constant 0 : i32
        %dma_start3A_662 = tpu.memref_slice %arg3[%multiple_of3A_654, %dma_start3A_661] : memref<1000000x16xf32, #tpu.memory_space<hbm>> -> memref<8x16xf32, #tpu.memory_space<hbm>>
        tpu.enqueue_dma source(%dma_start3A_662 : memref<8x16xf32, #tpu.memory_space<hbm>>) target(%dma_start3A_660 : memref<8x16xf32, #tpu.memory_space<vmem>>) target_semaphore(%arg15 : memref<!tpu.dma_semaphore, #tpu.memory_space<semaphore_mem>>)
        %slice3A_663 = vector.extract_strided_slice %shift_left3A_68 {offsets = [15], sizes = [1], strides = [1]} : vector<16xi32> to vector<1xi32>
        %squeeze3A_664 = vector.extract %slice3A_663[0] : i32 from vector<1xi32>
        %multiple_of3A_665 = tpu.assume_multiple %squeeze3A_664, 8 : i32
        %dma_start3A_666 = arith.constant 0 : i32
        %dma_start3A_667 = tpu.memref_slice %arg13[%multiple_of3A_640, %dma_start3A_666] : memref<256x16xf32, #tpu.memory_space<vmem>> -> memref<8x16xf32, #tpu.memory_space<vmem>>
        %dma_start3A_668 = arith.constant 0 : i32
        %dma_start3A_669 = tpu.memref_slice %arg3[%multiple_of3A_665, %dma_start3A_668] : memref<1000000x16xf32, #tpu.memory_space<hbm>> -> memref<8x16xf32, #tpu.memory_space<hbm>>
        %dma_start3A_670 = arith.constant 0 : i32
        %dma_start3A_671 = tpu.memref_slice %arg13[%multiple_of3A_640, %dma_start3A_670] : memref<256x16xf32, #tpu.memory_space<vmem>> -> memref<8x16xf32, #tpu.memory_space<vmem>>
        %dma_start3A_672 = arith.constant 0 : i32
        %dma_start3A_673 = tpu.memref_slice %arg3[%multiple_of3A_665, %dma_start3A_672] : memref<1000000x16xf32, #tpu.memory_space<hbm>> -> memref<8x16xf32, #tpu.memory_space<hbm>>
        tpu.enqueue_dma source(%dma_start3A_673 : memref<8x16xf32, #tpu.memory_space<hbm>>) target(%dma_start3A_671 : memref<8x16xf32, #tpu.memory_space<vmem>>) target_semaphore(%arg15 : memref<!tpu.dma_semaphore, #tpu.memory_space<semaphore_mem>>)
      }
      %scan3A_17 = arith.constant 2 : i32
      %dma_wait3A = arith.constant 0 : i32
      %dma_wait3A_18 = arith.constant 0 : i32
      %dma_wait3A_19 = tpu.memref_slice %arg2[%dma_wait3A, %dma_wait3A_18] : memref<1000000x16xf32, #tpu.memory_space<hbm>> -> memref<256x16xf32, #tpu.memory_space<hbm>>
      %dma_wait3A_20 = arith.constant 0 : i32
      %dma_wait3A_21 = arith.constant 0 : i32
      %dma_wait3A_22 = tpu.memref_slice %arg2[%dma_wait3A_20, %dma_wait3A_21] : memref<1000000x16xf32, #tpu.memory_space<hbm>> -> memref<256x16xf32, #tpu.memory_space<hbm>>
      tpu.wait_dma2 semaphore(%arg15 : memref<!tpu.dma_semaphore, #tpu.memory_space<semaphore_mem>>) src(%dma_wait3A_22 : memref<256x16xf32, #tpu.memory_space<hbm>>) dst(%arg11 : memref<256x16xf32, #tpu.memory_space<vmem>>)
      %dma_wait3A_23 = arith.constant 0 : i32
      %dma_wait3A_24 = arith.constant 0 : i32
      %dma_wait3A_25 = tpu.memref_slice %arg2[%dma_wait3A_23, %dma_wait3A_24] : memref<1000000x16xf32, #tpu.memory_space<hbm>> -> memref<256x16xf32, #tpu.memory_space<hbm>>
      %dma_wait3A_26 = arith.constant 0 : i32
      %dma_wait3A_27 = arith.constant 0 : i32
      %dma_wait3A_28 = tpu.memref_slice %arg2[%dma_wait3A_26, %dma_wait3A_27] : memref<1000000x16xf32, #tpu.memory_space<hbm>> -> memref<256x16xf32, #tpu.memory_space<hbm>>
      tpu.wait_dma2 semaphore(%arg15 : memref<!tpu.dma_semaphore, #tpu.memory_space<semaphore_mem>>) src(%dma_wait3A_28 : memref<256x16xf32, #tpu.memory_space<hbm>>) dst(%arg12 : memref<256x16xf32, #tpu.memory_space<vmem>>)
      %dma_wait3A_29 = arith.constant 0 : i32
      %dma_wait3A_30 = arith.constant 0 : i32
      %dma_wait3A_31 = tpu.memref_slice %arg2[%dma_wait3A_29, %dma_wait3A_30] : memref<1000000x16xf32, #tpu.memory_space<hbm>> -> memref<256x16xf32, #tpu.memory_space<hbm>>
      %dma_wait3A_32 = arith.constant 0 : i32
      %dma_wait3A_33 = arith.constant 0 : i32
      %dma_wait3A_34 = tpu.memref_slice %arg2[%dma_wait3A_32, %dma_wait3A_33] : memref<1000000x16xf32, #tpu.memory_space<hbm>> -> memref<256x16xf32, #tpu.memory_space<hbm>>
      tpu.wait_dma2 semaphore(%arg15 : memref<!tpu.dma_semaphore, #tpu.memory_space<semaphore_mem>>) src(%dma_wait3A_34 : memref<256x16xf32, #tpu.memory_space<hbm>>) dst(%arg13 : memref<256x16xf32, #tpu.memory_space<vmem>>)
      %scan3A_35 = arith.constant 0 : i32
      %scan3A_36 = arith.constant 0 : i32
      %scan3A_37 = arith.constant 2 : i32
      %scan3A_38 = arith.addi %scan3A_36, %scan3A_37 : i32
      %scan3A_39 = arith.constant 1 : i32
      scf.for %scan3A_41 = %scan3A_36 to %scan3A_38 step %scan3A_39  : i32 {
        %mul3A_42 = arith.constant 16 : i32
        %mul3A_43 = arith.muli %scan3A_41, %mul3A_42 : i32
        %multiple_of3A_44 = tpu.assume_multiple %mul3A_43, 16 : i32
        %add3A_45 = vector.broadcast %multiple_of3A_44 : i32 to vector<16xi32>
        %add3A_46 = arith.addi %add3A_45, %iota3A : vector<16xi32>
        %mul3A_47 = arith.constant 8 : i32
        %mul3A_48 = vector.broadcast %mul3A_47 : i32 to vector<16xi32>
        %mul3A_49 = arith.muli %add3A_46, %mul3A_48 : vector<16xi32>
        %add3A_50 = arith.addi %multiple_of3A_11, %multiple_of3A_44 : i32
        %get3A = arith.index_cast %add3A_50 : i32 to index
        %get3A_51 = tpu.vector_load %arg8[%get3A] {strides = array<i32>} : memref<512xi32, #tpu.memory_space<vmem>>, vector<16xi32>,
        %and3A = arith.constant 7 : i32
        %and3A_52 = vector.broadcast %and3A : i32 to vector<16xi32>
        %and3A_53 = arith.andi %get3A_51, %and3A_52 : vector<16xi32>
        %add3A_54 = arith.addi %mul3A_49, %and3A_53 : vector<16xi32>
        %mul3A_55 = arith.constant 8 : i32
        %mul3A_56 = vector.broadcast %mul3A_55 : i32 to vector<16xi32>
        %mul3A_57 = arith.muli %add3A_46, %mul3A_56 : vector<16xi32>
        %add3A_58 = arith.addi %multiple_of3A_11, %multiple_of3A_44 : i32
        %get3A_59 = arith.index_cast %add3A_58 : i32 to index
        %get3A_60 = tpu.vector_load %arg9[%get3A_59] {strides = array<i32>} : memref<512xi32, #tpu.memory_space<vmem>>, vector<16xi32>,
        %and3A_61 = arith.constant 7 : i32
        %and3A_62 = vector.broadcast %and3A_61 : i32 to vector<16xi32>
        %and3A_63 = arith.andi %get3A_60, %and3A_62 : vector<16xi32>
        %add3A_64 = arith.addi %mul3A_57, %and3A_63 : vector<16xi32>
        %mul3A_65 = arith.constant 8 : i32
        %mul3A_66 = vector.broadcast %mul3A_65 : i32 to vector<16xi32>
        %mul3A_67 = arith.muli %add3A_46, %mul3A_66 : vector<16xi32>
        %add3A_68 = arith.addi %multiple_of3A_11, %multiple_of3A_44 : i32
        %get3A_69 = arith.index_cast %add3A_68 : i32 to index
        %get3A_70 = tpu.vector_load %arg10[%get3A_69] {strides = array<i32>} : memref<512xi32, #tpu.memory_space<vmem>>, vector<16xi32>,
        %and3A_71 = arith.constant 7 : i32
        %and3A_72 = vector.broadcast %and3A_71 : i32 to vector<16xi32>
        %and3A_73 = arith.andi %get3A_70, %and3A_72 : vector<16xi32>
        %add3A_74 = arith.addi %mul3A_67, %and3A_73 : vector<16xi32>
        %broadcast_in_dim3A = arith.constant 0.000000e+00 : f32
        %broadcast_in_dim3A_75 = vector.broadcast %broadcast_in_dim3A : f32 to vector<16xf32>
        %broadcast_in_dim3A_76 = arith.constant 0 : i32
        %broadcast_in_dim3A_77 = vector.broadcast %broadcast_in_dim3A_76 : i32 to vector<16xi32>
        %gather3A = tpu.vector_load_idx %arg11[%add3A_54, %broadcast_in_dim3A_77] : memref<256x16xf32, #tpu.memory_space<vmem>>[vector<16xi32>, vector<16xi32>], vector<16xf32>,
        %gather3A_78 = tpu.vector_load_idx %arg12[%add3A_64, %broadcast_in_dim3A_77] : memref<256x16xf32, #tpu.memory_space<vmem>>[vector<16xi32>, vector<16xi32>], vector<16xf32>,
        %gather3A_79 = tpu.vector_load_idx %arg13[%add3A_74, %broadcast_in_dim3A_77] : memref<256x16xf32, #tpu.memory_space<vmem>>[vector<16xi32>, vector<16xi32>], vector<16xf32>,
        %sub3A = arith.subf %gather3A_78, %gather3A_79 : vector<16xf32>
        %mul3A_80 = arith.mulf %gather3A, %sub3A : vector<16xf32>
        %add3A_81 = arith.addf %broadcast_in_dim3A_75, %mul3A_80 : vector<16xf32>
        %broadcast_in_dim3A_82 = arith.constant 1 : i32
        %broadcast_in_dim3A_83 = vector.broadcast %broadcast_in_dim3A_82 : i32 to vector<16xi32>
        %gather3A_84 = tpu.vector_load_idx %arg11[%add3A_54, %broadcast_in_dim3A_83] : memref<256x16xf32, #tpu.memory_space<vmem>>[vector<16xi32>, vector<16xi32>], vector<16xf32>,
        %gather3A_85 = tpu.vector_load_idx %arg12[%add3A_64, %broadcast_in_dim3A_83] : memref<256x16xf32, #tpu.memory_space<vmem>>[vector<16xi32>, vector<16xi32>], vector<16xf32>,
        %gather3A_86 = tpu.vector_load_idx %arg13[%add3A_74, %broadcast_in_dim3A_83] : memref<256x16xf32, #tpu.memory_space<vmem>>[vector<16xi32>, vector<16xi32>], vector<16xf32>,
        %sub3A_87 = arith.subf %gather3A_85, %gather3A_86 : vector<16xf32>
        %mul3A_88 = arith.mulf %gather3A_84, %sub3A_87 : vector<16xf32>
        %add3A_89 = arith.addf %add3A_81, %mul3A_88 : vector<16xf32>
        %broadcast_in_dim3A_90 = arith.constant 2 : i32
        %broadcast_in_dim3A_91 = vector.broadcast %broadcast_in_dim3A_90 : i32 to vector<16xi32>
        %gather3A_92 = tpu.vector_load_idx %arg11[%add3A_54, %broadcast_in_dim3A_91] : memref<256x16xf32, #tpu.memory_space<vmem>>[vector<16xi32>, vector<16xi32>], vector<16xf32>,
        %gather3A_93 = tpu.vector_load_idx %arg12[%add3A_64, %broadcast_in_dim3A_91] : memref<256x16xf32, #tpu.memory_space<vmem>>[vector<16xi32>, vector<16xi32>], vector<16xf32>,
        %gather3A_94 = tpu.vector_load_idx %arg13[%add3A_74, %broadcast_in_dim3A_91] : memref<256x16xf32, #tpu.memory_space<vmem>>[vector<16xi32>, vector<16xi32>], vector<16xf32>,
        %sub3A_95 = arith.subf %gather3A_93, %gather3A_94 : vector<16xf32>
        %mul3A_96 = arith.mulf %gather3A_92, %sub3A_95 : vector<16xf32>
        %add3A_97 = arith.addf %add3A_89, %mul3A_96 : vector<16xf32>
        %broadcast_in_dim3A_98 = arith.constant 3 : i32
        %broadcast_in_dim3A_99 = vector.broadcast %broadcast_in_dim3A_98 : i32 to vector<16xi32>
        %gather3A_100 = tpu.vector_load_idx %arg11[%add3A_54, %broadcast_in_dim3A_99] : memref<256x16xf32, #tpu.memory_space<vmem>>[vector<16xi32>, vector<16xi32>], vector<16xf32>,
        %gather3A_101 = tpu.vector_load_idx %arg12[%add3A_64, %broadcast_in_dim3A_99] : memref<256x16xf32, #tpu.memory_space<vmem>>[vector<16xi32>, vector<16xi32>], vector<16xf32>,
        %gather3A_102 = tpu.vector_load_idx %arg13[%add3A_74, %broadcast_in_dim3A_99] : memref<256x16xf32, #tpu.memory_space<vmem>>[vector<16xi32>, vector<16xi32>], vector<16xf32>,
        %sub3A_103 = arith.subf %gather3A_101, %gather3A_102 : vector<16xf32>
        %mul3A_104 = arith.mulf %gather3A_100, %sub3A_103 : vector<16xf32>
        %add3A_105 = arith.addf %add3A_97, %mul3A_104 : vector<16xf32>
        %broadcast_in_dim3A_106 = arith.constant 4 : i32
        %broadcast_in_dim3A_107 = vector.broadcast %broadcast_in_dim3A_106 : i32 to vector<16xi32>
        %gather3A_108 = tpu.vector_load_idx %arg11[%add3A_54, %broadcast_in_dim3A_107] : memref<256x16xf32, #tpu.memory_space<vmem>>[vector<16xi32>, vector<16xi32>], vector<16xf32>,
        %gather3A_109 = tpu.vector_load_idx %arg12[%add3A_64, %broadcast_in_dim3A_107] : memref<256x16xf32, #tpu.memory_space<vmem>>[vector<16xi32>, vector<16xi32>], vector<16xf32>,
        %gather3A_110 = tpu.vector_load_idx %arg13[%add3A_74, %broadcast_in_dim3A_107] : memref<256x16xf32, #tpu.memory_space<vmem>>[vector<16xi32>, vector<16xi32>], vector<16xf32>,
        %sub3A_111 = arith.subf %gather3A_109, %gather3A_110 : vector<16xf32>
        %mul3A_112 = arith.mulf %gather3A_108, %sub3A_111 : vector<16xf32>
        %add3A_113 = arith.addf %add3A_105, %mul3A_112 : vector<16xf32>
        %broadcast_in_dim3A_114 = arith.constant 5 : i32
        %broadcast_in_dim3A_115 = vector.broadcast %broadcast_in_dim3A_114 : i32 to vector<16xi32>
        %gather3A_116 = tpu.vector_load_idx %arg11[%add3A_54, %broadcast_in_dim3A_115] : memref<256x16xf32, #tpu.memory_space<vmem>>[vector<16xi32>, vector<16xi32>], vector<16xf32>,
        %gather3A_117 = tpu.vector_load_idx %arg12[%add3A_64, %broadcast_in_dim3A_115] : memref<256x16xf32, #tpu.memory_space<vmem>>[vector<16xi32>, vector<16xi32>], vector<16xf32>,
        %gather3A_118 = tpu.vector_load_idx %arg13[%add3A_74, %broadcast_in_dim3A_115] : memref<256x16xf32, #tpu.memory_space<vmem>>[vector<16xi32>, vector<16xi32>], vector<16xf32>,
        %sub3A_119 = arith.subf %gather3A_117, %gather3A_118 : vector<16xf32>
        %mul3A_120 = arith.mulf %gather3A_116, %sub3A_119 : vector<16xf32>
        %add3A_121 = arith.addf %add3A_113, %mul3A_120 : vector<16xf32>
        %broadcast_in_dim3A_122 = arith.constant 6 : i32
        %broadcast_in_dim3A_123 = vector.broadcast %broadcast_in_dim3A_122 : i32 to vector<16xi32>
        %gather3A_124 = tpu.vector_load_idx %arg11[%add3A_54, %broadcast_in_dim3A_123] : memref<256x16xf32, #tpu.memory_space<vmem>>[vector<16xi32>, vector<16xi32>], vector<16xf32>,
        %gather3A_125 = tpu.vector_load_idx %arg12[%add3A_64, %broadcast_in_dim3A_123] : memref<256x16xf32, #tpu.memory_space<vmem>>[vector<16xi32>, vector<16xi32>], vector<16xf32>,
        %gather3A_126 = tpu.vector_load_idx %arg13[%add3A_74, %broadcast_in_dim3A_123] : memref<256x16xf32, #tpu.memory_space<vmem>>[vector<16xi32>, vector<16xi32>], vector<16xf32>,
        %sub3A_127 = arith.subf %gather3A_125, %gather3A_126 : vector<16xf32>
        %mul3A_128 = arith.mulf %gather3A_124, %sub3A_127 : vector<16xf32>
        %add3A_129 = arith.addf %add3A_121, %mul3A_128 : vector<16xf32>
        %broadcast_in_dim3A_130 = arith.constant 7 : i32
        %broadcast_in_dim3A_131 = vector.broadcast %broadcast_in_dim3A_130 : i32 to vector<16xi32>
        %gather3A_132 = tpu.vector_load_idx %arg11[%add3A_54, %broadcast_in_dim3A_131] : memref<256x16xf32, #tpu.memory_space<vmem>>[vector<16xi32>, vector<16xi32>], vector<16xf32>,
        %gather3A_133 = tpu.vector_load_idx %arg12[%add3A_64, %broadcast_in_dim3A_131] : memref<256x16xf32, #tpu.memory_space<vmem>>[vector<16xi32>, vector<16xi32>], vector<16xf32>,
        %gather3A_134 = tpu.vector_load_idx %arg13[%add3A_74, %broadcast_in_dim3A_131] : memref<256x16xf32, #tpu.memory_space<vmem>>[vector<16xi32>, vector<16xi32>], vector<16xf32>,
        %sub3A_135 = arith.subf %gather3A_133, %gather3A_134 : vector<16xf32>
        %mul3A_136 = arith.mulf %gather3A_132, %sub3A_135 : vector<16xf32>
        %add3A_137 = arith.addf %add3A_129, %mul3A_136 : vector<16xf32>
        %broadcast_in_dim3A_138 = arith.constant 8 : i32
        %broadcast_in_dim3A_139 = vector.broadcast %broadcast_in_dim3A_138 : i32 to vector<16xi32>
        %gather3A_140 = tpu.vector_load_idx %arg11[%add3A_54, %broadcast_in_dim3A_139] : memref<256x16xf32, #tpu.memory_space<vmem>>[vector<16xi32>, vector<16xi32>], vector<16xf32>,
        %gather3A_141 = tpu.vector_load_idx %arg12[%add3A_64, %broadcast_in_dim3A_139] : memref<256x16xf32, #tpu.memory_space<vmem>>[vector<16xi32>, vector<16xi32>], vector<16xf32>,
        %gather3A_142 = tpu.vector_load_idx %arg13[%add3A_74, %broadcast_in_dim3A_139] : memref<256x16xf32, #tpu.memory_space<vmem>>[vector<16xi32>, vector<16xi32>], vector<16xf32>,
        %sub3A_143 = arith.subf %gather3A_141, %gather3A_142 : vector<16xf32>
        %mul3A_144 = arith.mulf %gather3A_140, %sub3A_143 : vector<16xf32>
        %add3A_145 = arith.addf %add3A_137, %mul3A_144 : vector<16xf32>
        %broadcast_in_dim3A_146 = arith.constant 9 : i32
        %broadcast_in_dim3A_147 = vector.broadcast %broadcast_in_dim3A_146 : i32 to vector<16xi32>
        %gather3A_148 = tpu.vector_load_idx %arg11[%add3A_54, %broadcast_in_dim3A_147] : memref<256x16xf32, #tpu.memory_space<vmem>>[vector<16xi32>, vector<16xi32>], vector<16xf32>,
        %gather3A_149 = tpu.vector_load_idx %arg12[%add3A_64, %broadcast_in_dim3A_147] : memref<256x16xf32, #tpu.memory_space<vmem>>[vector<16xi32>, vector<16xi32>], vector<16xf32>,
        %gather3A_150 = tpu.vector_load_idx %arg13[%add3A_74, %broadcast_in_dim3A_147] : memref<256x16xf32, #tpu.memory_space<vmem>>[vector<16xi32>, vector<16xi32>], vector<16xf32>,
        %sub3A_151 = arith.subf %gather3A_149, %gather3A_150 : vector<16xf32>
        %mul3A_152 = arith.mulf %gather3A_148, %sub3A_151 : vector<16xf32>
        %add3A_153 = arith.addf %add3A_145, %mul3A_152 : vector<16xf32>
        %broadcast_in_dim3A_154 = arith.constant 10 : i32
        %broadcast_in_dim3A_155 = vector.broadcast %broadcast_in_dim3A_154 : i32 to vector<16xi32>
        %gather3A_156 = tpu.vector_load_idx %arg11[%add3A_54, %broadcast_in_dim3A_155] : memref<256x16xf32, #tpu.memory_space<vmem>>[vector<16xi32>, vector<16xi32>], vector<16xf32>,
        %gather3A_157 = tpu.vector_load_idx %arg12[%add3A_64, %broadcast_in_dim3A_155] : memref<256x16xf32, #tpu.memory_space<vmem>>[vector<16xi32>, vector<16xi32>], vector<16xf32>,
        %gather3A_158 = tpu.vector_load_idx %arg13[%add3A_74, %broadcast_in_dim3A_155] : memref<256x16xf32, #tpu.memory_space<vmem>>[vector<16xi32>, vector<16xi32>], vector<16xf32>,
        %sub3A_159 = arith.subf %gather3A_157, %gather3A_158 : vector<16xf32>
        %mul3A_160 = arith.mulf %gather3A_156, %sub3A_159 : vector<16xf32>
        %add3A_161 = arith.addf %add3A_153, %mul3A_160 : vector<16xf32>
        %broadcast_in_dim3A_162 = arith.constant 11 : i32
        %broadcast_in_dim3A_163 = vector.broadcast %broadcast_in_dim3A_162 : i32 to vector<16xi32>
        %gather3A_164 = tpu.vector_load_idx %arg11[%add3A_54, %broadcast_in_dim3A_163] : memref<256x16xf32, #tpu.memory_space<vmem>>[vector<16xi32>, vector<16xi32>], vector<16xf32>,
        %gather3A_165 = tpu.vector_load_idx %arg12[%add3A_64, %broadcast_in_dim3A_163] : memref<256x16xf32, #tpu.memory_space<vmem>>[vector<16xi32>, vector<16xi32>], vector<16xf32>,
        %gather3A_166 = tpu.vector_load_idx %arg13[%add3A_74, %broadcast_in_dim3A_163] : memref<256x16xf32, #tpu.memory_space<vmem>>[vector<16xi32>, vector<16xi32>], vector<16xf32>,
        %sub3A_167 = arith.subf %gather3A_165, %gather3A_166 : vector<16xf32>
        %mul3A_168 = arith.mulf %gather3A_164, %sub3A_167 : vector<16xf32>
        %add3A_169 = arith.addf %add3A_161, %mul3A_168 : vector<16xf32>
        %broadcast_in_dim3A_170 = arith.constant 12 : i32
        %broadcast_in_dim3A_171 = vector.broadcast %broadcast_in_dim3A_170 : i32 to vector<16xi32>
        %gather3A_172 = tpu.vector_load_idx %arg11[%add3A_54, %broadcast_in_dim3A_171] : memref<256x16xf32, #tpu.memory_space<vmem>>[vector<16xi32>, vector<16xi32>], vector<16xf32>,
        %gather3A_173 = tpu.vector_load_idx %arg12[%add3A_64, %broadcast_in_dim3A_171] : memref<256x16xf32, #tpu.memory_space<vmem>>[vector<16xi32>, vector<16xi32>], vector<16xf32>,
        %gather3A_174 = tpu.vector_load_idx %arg13[%add3A_74, %broadcast_in_dim3A_171] : memref<256x16xf32, #tpu.memory_space<vmem>>[vector<16xi32>, vector<16xi32>], vector<16xf32>,
        %sub3A_175 = arith.subf %gather3A_173, %gather3A_174 : vector<16xf32>
        %mul3A_176 = arith.mulf %gather3A_172, %sub3A_175 : vector<16xf32>
        %add3A_177 = arith.addf %add3A_169, %mul3A_176 : vector<16xf32>
        %broadcast_in_dim3A_178 = arith.constant 13 : i32
        %broadcast_in_dim3A_179 = vector.broadcast %broadcast_in_dim3A_178 : i32 to vector<16xi32>
        %gather3A_180 = tpu.vector_load_idx %arg11[%add3A_54, %broadcast_in_dim3A_179] : memref<256x16xf32, #tpu.memory_space<vmem>>[vector<16xi32>, vector<16xi32>], vector<16xf32>,
        %gather3A_181 = tpu.vector_load_idx %arg12[%add3A_64, %broadcast_in_dim3A_179] : memref<256x16xf32, #tpu.memory_space<vmem>>[vector<16xi32>, vector<16xi32>], vector<16xf32>,
        %gather3A_182 = tpu.vector_load_idx %arg13[%add3A_74, %broadcast_in_dim3A_179] : memref<256x16xf32, #tpu.memory_space<vmem>>[vector<16xi32>, vector<16xi32>], vector<16xf32>,
        %sub3A_183 = arith.subf %gather3A_181, %gather3A_182 : vector<16xf32>
        %mul3A_184 = arith.mulf %gather3A_180, %sub3A_183 : vector<16xf32>
        %add3A_185 = arith.addf %add3A_177, %mul3A_184 : vector<16xf32>
        %broadcast_in_dim3A_186 = arith.constant 14 : i32
        %broadcast_in_dim3A_187 = vector.broadcast %broadcast_in_dim3A_186 : i32 to vector<16xi32>
        %gather3A_188 = tpu.vector_load_idx %arg11[%add3A_54, %broadcast_in_dim3A_187] : memref<256x16xf32, #tpu.memory_space<vmem>>[vector<16xi32>, vector<16xi32>], vector<16xf32>,
        %gather3A_189 = tpu.vector_load_idx %arg12[%add3A_64, %broadcast_in_dim3A_187] : memref<256x16xf32, #tpu.memory_space<vmem>>[vector<16xi32>, vector<16xi32>], vector<16xf32>,
        %gather3A_190 = tpu.vector_load_idx %arg13[%add3A_74, %broadcast_in_dim3A_187] : memref<256x16xf32, #tpu.memory_space<vmem>>[vector<16xi32>, vector<16xi32>], vector<16xf32>,
        %sub3A_191 = arith.subf %gather3A_189, %gather3A_190 : vector<16xf32>
        %mul3A_192 = arith.mulf %gather3A_188, %sub3A_191 : vector<16xf32>
        %add3A_193 = arith.addf %add3A_185, %mul3A_192 : vector<16xf32>
        %broadcast_in_dim3A_194 = arith.constant 15 : i32
        %broadcast_in_dim3A_195 = vector.broadcast %broadcast_in_dim3A_194 : i32 to vector<16xi32>
        %gather3A_196 = tpu.vector_load_idx %arg11[%add3A_54, %broadcast_in_dim3A_195] : memref<256x16xf32, #tpu.memory_space<vmem>>[vector<16xi32>, vector<16xi32>], vector<16xf32>,
        %gather3A_197 = tpu.vector_load_idx %arg12[%add3A_64, %broadcast_in_dim3A_195] : memref<256x16xf32, #tpu.memory_space<vmem>>[vector<16xi32>, vector<16xi32>], vector<16xf32>,
        %gather3A_198 = tpu.vector_load_idx %arg13[%add3A_74, %broadcast_in_dim3A_195] : memref<256x16xf32, #tpu.memory_space<vmem>>[vector<16xi32>, vector<16xi32>], vector<16xf32>,
        %sub3A_199 = arith.subf %gather3A_197, %gather3A_198 : vector<16xf32>
        %mul3A_200 = arith.mulf %gather3A_196, %sub3A_199 : vector<16xf32>
        %add3A_201 = arith.addf %add3A_193, %mul3A_200 : vector<16xf32>
        %add3A_202 = arith.addi %multiple_of3A_11, %multiple_of3A_44 : i32
        %swap3A = arith.index_cast %add3A_202 : i32 to index
        %swap3A_203 = tpu.vector_load %arg14[%swap3A] {strides = array<i32>} : memref<512xf32, #tpu.memory_space<vmem>>, vector<16xf32>,
        tpu.vector_store %arg14[%swap3A], %add3A_201 {strides = array<i32>} : memref<512xf32, #tpu.memory_space<vmem>>, vector<16xf32>,
      }
      %scan3A_40 = arith.constant 2 : i32
    }
    %scan3A_7 = arith.constant 16 : i32
    "tpu.region"() ({
      %run_scoped3A = tpu.sem_alloc : memref<!tpu.dma_semaphore, #tpu.memory_space<semaphore_mem>>
      %dma_start3A = tpu.memref_slice %arg7[%multiple_of3A] : memref<16384xf32, #tpu.memory_space<hbm>> -> memref<512xf32, #tpu.memory_space<hbm>>
      %dma_start3A_8 = tpu.memref_slice %arg7[%multiple_of3A] : memref<16384xf32, #tpu.memory_space<hbm>> -> memref<512xf32, #tpu.memory_space<hbm>>
      tpu.enqueue_dma source(%arg14 : memref<512xf32, #tpu.memory_space<vmem>>) target(%dma_start3A_8 : memref<512xf32, #tpu.memory_space<hbm>>) target_semaphore(%run_scoped3A : memref<!tpu.dma_semaphore, #tpu.memory_space<semaphore_mem>>)
      %dma_wait3A = tpu.memref_slice %arg7[%multiple_of3A] : memref<16384xf32, #tpu.memory_space<hbm>> -> memref<512xf32, #tpu.memory_space<hbm>>
      %dma_wait3A_9 = tpu.memref_slice %arg7[%multiple_of3A] : memref<16384xf32, #tpu.memory_space<hbm>> -> memref<512xf32, #tpu.memory_space<hbm>>
      tpu.wait_dma2 semaphore(%run_scoped3A : memref<!tpu.dma_semaphore, #tpu.memory_space<semaphore_mem>>) src(%arg14 : memref<512xf32, #tpu.memory_space<vmem>>) dst(%dma_wait3A_9 : memref<512xf32, #tpu.memory_space<hbm>>)
      tpu.yield
    }) : () -> ()
    return
  }
}

</mosaic_0001>

<sc_bundles>
// kernel: kernel.3.cloned.1.call-start
scs
__scs_entry_jumppad:
0x0: {  	(pc) =	sbr.rel $0x88, $3  }
0x1: {  	(tag) =	ssettag $0x0;
	lr =	simm.s32 $0x1  }
0x2: {  	[smem:$0x3F9C] =	sst lr;
	_ =	strace $0xD0000000  }
0x3: {  	_ = 	snop  }
0x4: {  	_ = 	snop  }
0x5: {  	_ = 	snop  }
0x6: {  	_ = 	snop  }
0x7: {  	_ = 	snop  }
__scs_overlays_trampoline_lowered:
0x8: {  	[smem:$0x3FAB] =	sst s0  }
0x9: {  	[smem:$0x3FAC] =	sst s1  }
0xa: {  	[smem:$0x3FAD] =	sst s2  }
0xb: {  	[smem:$0x3FAE] =	sst s3  }
0xc: {  	[smem:$0x3FAF] =	sst s4  }
0xd: {  	[smem:$0x3FB0] =	sst s5  }
0xe: {  	[smem:$0x3FB1] =	sst s6  }
0xf: {  	[smem:$0x3FB2] =	sst s7  }
0x10: {  	[smem:$0x3FB3] =	sst s8  }
0x11: {  	[smem:$0x3FB4] =	sst s9;
	s0 =	simm.s32 @!p0 $0x0  }
0x12: {  	s1 =	sld [smem:$0x3F9A];
	s0 =	simm.s32 @p0 $0x1  }
0x13: {  	[smem:$0x3FB5] =	sst s0;
	s0 =	simm.s32 @!p1 $0x0  }
0x14: {  	s2 =	sld [smem:$0x3F99];
	s0 =	simm.s32 @p1 $0x1  }
0x15: {  	[smem:$0x3FB6] =	sst s0;
	s0 =	simm.s32 @!p2 $0x0  }
0x16: {  	s3 =	sld [smem:$0x3FDB];
	s0 =	simm.s32 @p2 $0x1  }
0x17: {  	s4 =	simm.s32 $0x1BF5;
	[smem:$0x3FB8] =	sst s0  }
0x18: {  	s0 =	sld [smem:$0x3F9B];
	_ =	swait.ge [sflag:s4], $0x0  }
0x19: {  	s7 =	sld [smem:$0x3F9C]  }
0x1a: {  	s8 =	sadd.s32 $0xFFFFE003, lr  }
0x1b: {  	s9 =	sadd.s32 $0xFFFFFEF7, lr;
	s5 =	simm.s32 $0xFFFFFFFF;
	p2 =	slt.u32 s8, $0xFFFFF086  }
0x1c: {  	p1 =	slt.u32 s9, $0xF7A;
	s5 =	simm.s32 @!p2 $0x0  }
0x1d: {  	s5 =	simm.s32 @p1 $0x1;
	p0 =	seq.s32 s7, s2  }
0x1e: {  	s7 =	smul.u32 @!p0 $0xF7A, s2;
	p2 =	seq.s32 @!p0 s5, $0x0  }
0x1f: {  	s9 =	smul.u32 $0xF7A, s1;
	s8 =	simm.s32 @!p0 $0x1BF5;
	p2 =	por !p2, p0  }
0x20: {  	[sflag:s8] =	ssyncset.s32 @!p0 $0xFFFFF086;
	s6 =	sadd.s32 @!p0 s3, s7;
	s7 =	simm.s32 @!p0 $0x108  }
0x21: {  	s3 =	sadd.s32 s3, s9;
	s6 =	sadd.s32 @!p0 $0x88, s6;
	s7 =	simm.s32 @p2 $0x1082  }
0x22: {  	[simem:s7], [sflag:s8] =	dma.local @!p0 [hbm:s6], $0xF7A  }
0x23: {  	s9 =	sor.u32 $0xD0000000, s2;
	s6 =	simm.s32 $0x108;
	_ =	swait.ge @!p0 [sflag:s8], $0x0  }
0x24: {  	s3 =	sadd.s32 $0x88, s3;
	s6 =	simm.s32 @!p1 $0x1082;
	[sflag:s4] =	ssyncset.s32 $0xFFFFF086  }
0x25: {  	[simem:s6], [sflag:s4] =	dma.local [hbm:s3], $0xF7A  }
0x26: {  	[smem:$0x3F9C] =	sst s1;
	(tag) =	ssettag s2;
	_ =	strace s9  }
0x27: {  	s1 =	sld [smem:$0x3FAC]  }
0x28: {  	s2 =	sld [smem:$0x3FAD]  }
0x29: {  	s4 =	sld [smem:$0x3FAF]  }
0x2a: {  	p0 =	seq.s32 s5, $0x0;
	s5 =	sld [smem:$0x3FB0]  }
0x2b: {  	s6 =	sld [smem:$0x3FB1]  }
0x2c: {  	s7 =	sld [smem:$0x3FB2]  }
0x2d: {  	s3 =	simm.s32 $0x108;
	s8 =	sld [smem:$0x3FB3]  }
0x2e: {  	s3 =	simm.s32 @!p0 $0x1082;
	s9 =	sld [smem:$0x3FB4]  }
0x2f: {  	lr =	sadd.s32 s0, s3;
	s0 =	sld [smem:$0x3FAB]  }
0x30: {  	s3 =	sld [smem:$0x3FAE]  }
0x31: {  	[smem:$0x3FB7] =	sst s10  }
0x32: {  	s10 =	sld [smem:$0x3FB5];
	_ =	sdelay $0x3  }
0x33: {  	p0 =	seq.s32 s10, $0x1;
	s10 =	sld [smem:$0x3FB7];
	_ =	sdelay $0x3  }
0x34: {  	[smem:$0x3FB7] =	sst s10  }
0x35: {  	s10 =	sld [smem:$0x3FB6];
	_ =	sdelay $0x3  }
0x36: {  	p1 =	seq.s32 s10, $0x1;
	s10 =	sld [smem:$0x3FB7];
	_ =	sdelay $0x3  }
0x37: {  	[smem:$0x3FB7] =	sst s10  }
0x38: {  	s10 =	sld [smem:$0x3FB8]  }
0x39: {  	_ = 	snop;
	(pc) =	sbr.ind lr, $3  }
0x3a: {  	_ = 	snop  }
0x3b: {  	_ = 	snop  }
0x3c: {  	p2 =	seq.s32 s10, $0x1;
	s10 =	sld [smem:$0x3FB7]  }
0x3d: {  	_ =	shalt  }
0x3e: {  	_ =	shalt  }
0x3f: {  	_ =	shalt  }
0x40: {  	_ =	shalt  }
0x41: {  	_ =	shalt  }
0x42: {  	_ =	shalt  }
0x43: {  	_ =	shalt  }
0x44: {  	_ =	shalt  }
0x45: {  	_ =	shalt  }
0x46: {  	_ =	shalt  }
0x47: {  	_ =	shalt  }
0x48: {  	_ =	shalt  }
0x49: {  	_ =	shalt  }
0x4a: {  	_ =	shalt  }
0x4b: {  	_ =	shalt  }
0x4c: {  	_ =	shalt  }
0x4d: {  	_ =	shalt  }
0x4e: {  	_ =	shalt  }
0x4f: {  	_ =	shalt  }
0x50: {  	_ =	shalt  }
0x51: {  	_ =	shalt  }
0x52: {  	_ =	shalt  }
0x53: {  	_ =	shalt  }
0x54: {  	_ =	shalt  }
0x55: {  	_ =	shalt  }
0x56: {  	_ =	shalt  }
0x57: {  	_ =	shalt  }
0x58: {  	_ =	shalt  }
0x59: {  	_ =	shalt  }
0x5a: {  	_ =	shalt  }
0x5b: {  	_ =	shalt  }
0x5c: {  	_ =	shalt  }
0x5d: {  	_ =	shalt  }
0x5e: {  	_ =	shalt  }
0x5f: {  	_ =	shalt  }
0x60: {  	_ =	shalt  }
0x61: {  	_ =	shalt  }
0x62: {  	_ =	shalt  }
0x63: {  	_ =	shalt  }
0x64: {  	_ =	shalt  }
0x65: {  	_ =	shalt  }
0x66: {  	_ =	shalt  }
0x67: {  	_ =	shalt  }
0x68: {  	_ =	shalt  }
0x69: {  	_ =	shalt  }
0x6a: {  	_ =	shalt  }
0x6b: {  	_ =	shalt  }
0x6c: {  	_ =	shalt  }
0x6d: {  	_ =	shalt  }
0x6e: {  	_ =	shalt  }
0x6f: {  	_ =	shalt  }
0x70: {  	_ =	shalt  }
0x71: {  	_ =	shalt  }
0x72: {  	_ =	shalt  }
0x73: {  	_ =	shalt  }
0x74: {  	_ =	shalt  }
0x75: {  	_ =	shalt  }
0x76: {  	_ =	shalt  }
0x77: {  	_ =	shalt  }
0x78: {  	_ =	shalt  }
0x79: {  	_ =	shalt  }
0x7a: {  	_ =	shalt  }
0x7b: {  	_ =	shalt  }
0x7c: {  	_ =	shalt  }
0x7d: {  	_ =	shalt  }
0x7e: {  	_ =	shalt  }
0x7f: {  	_ =	shalt  }
0x80: {  	_ =	shalt  }
0x81: {  	_ =	shalt  }
0x82: {  	_ =	shalt  }
0x83: {  	_ =	shalt  }
0x84: {  	_ =	shalt  }
0x85: {  	_ =	shalt  }
0x86: {  	_ =	shalt  }
0x87: {  	_ =	shalt  }
.Lfunc_end0:
.L_simem_size_0:
called_computation_lowered:
.L_overlay_start_0:
0x88: {  	s2 =	sld [smem:$0x3FD9]  }
0x89: {  	s3 =	sld [smem:$0x3FFE];
	_ =	sdelay $0x1  }
0x8a: {  	s1 =	srdreg.scid  }
0x8b: {  	s0 =	sand.u32 $0x1, s1  }
0x8c: {  	s17 =	sshll.u32 s0, $0xA;
	s2 =	sadd.s32 s3, s2  }
0x8d: {  	s2 =	sadd.s32 s2, s17  }
0x8e: {  	[smem:$0x3FC3] =	sst s2  }
0x8f: {  	_ = 	snop  }
0x90: {  	s2 =	sld [smem:$0x3FC9]  }
0x91: {  	s18 =	sld [smem:$0x3FC8]  }
0x92: {  	s4 =	sld [smem:$0x3FC7]  }
0x93: {  	s5 =	sld [smem:$0x3FD0];
	(tm) =	ssettm $0x1  }
0x94: {  	s6 =	sld [smem:$0x3FFB];
	_ =	sdelay $0x3  }
0x95: {  	_ =	strace s6  }
0x96: {  	s6 =	sld [smem:$0x3FFC];
	_ =	sdelay $0x3  }
0x97: {  	_ =	strace s6  }
0x98: {  	s6 =	sld [smem:$0x3FFD];
	_ =	sdelay $0x3  }
0x99: {  	_ =	strace s6  }
0x9a: {  	_ =	strace $0x8FFFFFFF  }
0x9b: {  	s19 =	sld [smem:$0x3FDB];
	_ =	sdelay $0x1  }
0x9c: {  	s7 =	simm.s32 $_scs_section_size  }
0x9d: {  	s8 =	simm.s32 $_size__tile_overlayer_lowered;
	s9 =	simm.s32 $_tile_overlayer_lowered  }
0x9e: {  	s22 =	simm.s32 $0x1BFF;
	s21 =	sshll.u32 s9, $0x1;
	s6 =	sadd.s32 s7, s19  }
0x9f: {  	s10 =	simm.s32 $0x0;
	s20 =	sshll.u32 s8, $0x1;
	s8 =	sadd.s32 s21, s6  }
0xa0: {  	[timem:s10], [sflag:s22] =	dma.local [hbm:s8], s20  }
0xa1: {  	_ =	swait.ge [sflag:s22], s20  }
0xa2: {  	s7 =	ssub.s32 $0x0, s20;
	[sflag:s22] =	ssyncset.done $0x0  }
0xa3: {  	[sflag:s22] =	ssyncadd.s32 s7;
	_ =	sdelay $0x1  }
0xa4: {  	s23 =	simm.s32 $0x1B8B  }
0xa5: {  	_ =	swait.ge [sflag:s23], $0x1  }
0xa6: {  	[sflag:s23] =	ssyncset.done $0x0  }
0xa7: {  	s25 =	simm.s32 $0x1B8E;
	s24 =	sld [smem:$0x3FFE];
	[sflag:s23] =	ssyncadd.s32 $0xFFFFFFFF  }
0xa8: {  	s26 =	simm.s32 $execute0_lowered;
	[smem:$0x3FD2] =	sst s25  }
0xa9: {  	s8 =	sshll.u32 s26, $0x1;
	_ =	strace $0x80000046;
	[dreg:$0x1] =	wrdreg $0xFFFFFFFF  }
0xaa: {  	s28 =	simm.s32 $_size_execute0_lowered;
	s6 =	sadd.s32 s6, s8;
	[dreg:$0x0] =	wrdreg $0x0  }
0xab: {  	s8 =	sshll.u32 s28, $0x1;
	[dreg:$0x2] =	wrdreg s6  }
0xac: {  	[dreg:$0x3] =	wrdreg s8  }
0xad: {  	[dreg:$0x4] =	wrdreg $0xC0  }
0xae: {  	_ =	task [dreg:s10], $0x5FFFF  }
0xaf: {  	[dreg:$0x1] =	wrdreg $0xFFFFFFFF  }
0xb0: {  	[dreg:$0x0] =	wrdreg $0x60  }
0xb1: {  	[dreg:$0x2] =	wrdreg s24  }
0xb2: {  	[dreg:$0x3] =	wrdreg s2  }
0xb3: {  	[dreg:$0x4] =	wrdreg s18  }
0xb4: {  	[dreg:$0x5] =	wrdreg s4  }
0xb5: {  	[dreg:$0x6] =	wrdreg s5  }
0xb6: {  	[dreg:$0x7] =	wrdreg $0x9  }
0xb7: {  	_ =	task.clear_ibuf [dreg:s10], $0x8FFFF;
	_ =	strace $0x90000046  }
0xb8: {  	s29 =	simm.s32 $0x9;
	_ =	strace $0x80000048  }
0xb9: {  	_ =	swait.ge [sflag:s29], $0x1  }
0xba: {  	[sflag:s29] =	ssyncadd.s32 $0xFFFFFFFF  }
0xbb: {  	_ =	strace $0x90000048  }
0xbc: {  	_ =	sfence  }
0xbd: {  	s30 =	sld [smem:$0x0];
	_ =	sdelay $0x2  }
0xbe: {  	s31 =	sshll.u32 s1, $0xD;
	s1 =	sshrl.u32 s1, $0x2  }
0xbf: {  	s3 =	sand.u32 $0x4000, s31;
	s1 =	sadd.s32 s1, s30  }
0xc0: {  	s0 =	sor.u32 s3, s0;
	s1 =	sshll.u32 s1, $0x11  }
0xc1: {  	s0 =	sor.u32 s1, s0  }
0xc2: {  	s0 =	sadd.s32 $0x8F2B, s0  }
0xc3: {  	[sflag:s0] =	ssyncadd.remote.s32 $0x1  }
0xc4: {  	_ =	sfence.sel $0xFFFF  }
0xc5: {  	[dreg:$0x0] =	wrdreg $0xFFFFFFFF;
	(pc) =	sbr.abs _section_cstart, $3  }
0xc6: {  	[dreg:$0x1] =	wrdreg $0xFFFFFFFF  }
0xc7: {  	_ =	task.clear_ibuf [dreg:s10], $0x2FFFF;
	_ =	strace $0x9FFFFFFF  }
0xc8: {  	(tm) =	ssettm $0x7FFFFFFF  }
0xc9: {  	_ =	shalt  }
tec
execute0_lowered:
.L_overlay_start_1:
0x0: {  	(tag) =	ssettag $0x1  }
0x1: {  	s4 =	rddreg [dreg:$0x0]  }
0x2: {  	s5 =	rddreg [dreg:$0x1]  }
0x3: {  	s6 =	rddreg [dreg:$0x2]  }
0x4: {  	s7 =	rddreg [dreg:$0x3]  }
0x5: {  	s8 =	rddreg [dreg:$0x4]  }
0x6: {  	s0 =	rddreg [dreg:$0x5];
	s1 =	simm.s32 $0x0  }
0x7: {  	s9 =	srdreg.scid;
	s2 =	stileid.u32;
	s13 =	simm.s32 $0x1  }
0x8: {  	s14 =	simm.s32 $0x600;
	s15 =	simm.s32 $0x8600;
	s16 =	simm.s32 $0x10600  }
0x9: {  	s17 =	simm.s32 $0x18600;
	s18 =	simm.s32 $0x0;
	[smem:$0x7FF] =	sst s1  }
0xa: {  	s3 =	sadd.s32 $0x400, s4;
	s9 =	sand.u32 $0x1, s9;
	s11 =	sshll.u32 s2, $0x7  }
0xb: {  	s4 =	sadd.s32 $0xF42800, s4;
	s10 =	ssub.s32 $0x2, s9;
	s9 =	sshll.u32 s9, $0x6  }
0xc: {  	_ =	strace $0x80000047;
	s12 =	sshrl.u32 s10, $0x1;
	s9 =	sor.u32 s9, s11  }
0xd: {  	s11 =	simm.s32 $0x200;
	s10 =	ssub.s32 s10, s12;
	s5 =	sadd.s32 s5, s9  }
0xe: {  	v0 =	vlaneseq.u32;
	s6 =	sadd.s32 s6, s9;
	s7 =	sadd.s32 s7, s9;
	s8 =	sadd.s32 s8, s9  }
0xf: {  	v0 =	vmul.u32 $0x8, v0;
	s12 =	simm.s32 $0x400;
	s9 =	smax.u32 s10, $0x1;
	s10 =	simm.s32 $0x2  }
.LBB2_1:
0x10: {  	[tilespmem:s1], [sflag:$0x2] =	stream.linear.gather [hbm4b:s5+s1], $0x200, $0x38;
	[tilespmem:$0x18800] =	vst v63  }
0x11: {  	_ =	swait.ge [sflag:s10], $0x200  }
0x12: {  	[sflag:s10] =	ssyncset.done $0x0  }
0x13: {  	[sflag:s10] =	ssyncadd.s32 $0xFFFFFE00  }
0x14: {  	[tilespmem:s11], [sflag:$0x2] =	stream.linear.gather [hbm4b:s6+s1], $0x200, $0x38;
	[tilespmem:$0x18800] =	vst v63  }
0x15: {  	_ =	swait.ge [sflag:s10], $0x200  }
0x16: {  	[sflag:s10] =	ssyncset.done $0x0  }
0x17: {  	[sflag:s10] =	ssyncadd.s32 $0xFFFFFE00  }
0x18: {  	[tilespmem:s12], [sflag:$0x2] =	stream.linear.gather [hbm4b:s7+s1], $0x200, $0x38;
	[tilespmem:$0x18800] =	vst v63  }
0x19: {  	_ =	swait.ge [sflag:s10], $0x200  }
0x1a: {  	[sflag:s10] =	ssyncset.done $0x0  }
0x1b: {  	s19 =	simm.s32 $0x0;
	[sflag:s10] =	ssyncadd.s32 $0xFFFFFE00  }
.LBB2_2:
0x1c: {  	s20 =	sshll.u32 s19, $0x5;
	s21 =	simm.s32 $0x0;
	p0 =	por $0x1, $0x1  }
.LBB2_3:
0x1d: {  	s22 =	sshll.u32 s21, $0x4  }
0x1e: {  	s22 =	sor.u32 s20, s22  }
0x1f: {  	v1 =	vld [tilespmem:s22+$0x0];
	_ =	sdelay $0x1  }
0x20: {  	v2 =	vld [tilespmem:s22+$0x200];
	_ =	sdelay $0x1  }
0x21: {  	v3 =	vld [tilespmem:s22+$0x400]  }
0x22: {  	v1 =	vand.u32 $0xFFFFFFF8, v1  }
0x23: {  	v1 =	vshll.u32 v1, $0x4  }
0x24: {  	v4 =	vand.u32 $0xFFFFFFF8, v2;
	v2 =	vadd.s32 s3, v1  }
0x25: {  	v1 =	vshll.u32 v4, $0x4;
	(v2sf) =	vpush v2, $0x0  }
0x26: {  	v63 =	vand.u32 $0xFFFFFFF8, v3;
	v3 =	vadd.s32 s4, v1  }
0x27: {  	v1 =	vshll.u32 v63, $0x4;
	(v2sf) =	vpush v3, $0x0  }
0x28: {  	v1 =	vadd.s32 s4, v1  }
0x29: {  	(v2sf) =	vpush v1, $0x0;
	_ =	sdelay $0x1  }
0x2a: {  	(v2sf) =	vpush v2, $0x1;
	_ =	sdelay $0x1  }
0x2b: {  	(v2sf) =	vpush v3, $0x1;
	_ =	sdelay $0x1  }
0x2c: {  	(v2sf) =	vpush v1, $0x1;
	_ =	sdelay $0x1  }
0x2d: {  	(v2sf) =	vpush v2, $0x2;
	_ =	sdelay $0x1  }
0x2e: {  	s21 =	sshll.u32 s21, $0xE;
	(v2sf) =	vpush v3, $0x2  }
0x2f: {  	s24 =	sor.u32 $0x600, s21;
	s23 =	spop (v2sf)  }
0x30: {  	(v2sf) =	vpush v1, $0x2;
	[tilespmem:s24], [sflag:$0x1] =	stream.linear.gather [hbm4b:s23+s1], $0x400, $0x38;
	[tilespmem:$0x18800] =	vst v63  }
0x31: {  	s25 =	sadd.s32 $0x8600, s21;
	s26 =	spop (v2sf)  }
0x32: {  	(v2sf) =	vpush v2, $0x3;
	[tilespmem:s25], [sflag:$0x1] =	stream.linear.gather [hbm4b:s26+s1], $0x400, $0x38;
	[tilespmem:$0x18800] =	vst v63  }
0x33: {  	s28 =	sadd.s32 $0x10600, s21;
	s29 =	spop (v2sf)  }
0x34: {  	(v2sf) =	vpush v3, $0x3;
	[tilespmem:s28], [sflag:$0x1] =	stream.linear.gather [hbm4b:s29+s1], $0x400, $0x38;
	[tilespmem:$0x18800] =	vst v63  }
0x35: {  	s30 =	sor.u32 $0xA00, s21;
	s31 =	spop (v2sf)  }
0x36: {  	(v2sf) =	vpush v1, $0x3;
	[tilespmem:s30], [sflag:$0x1] =	stream.linear.gather [hbm4b:s31+s1], $0x400, $0x38;
	[tilespmem:$0x18800] =	vst v63  }
0x37: {  	s23 =	sadd.s32 $0x8A00, s21;
	s24 =	spop (v2sf)  }
0x38: {  	(v2sf) =	vpush v2, $0x4;
	[tilespmem:s23], [sflag:$0x1] =	stream.linear.gather [hbm4b:s24+s1], $0x400, $0x38;
	[tilespmem:$0x18800] =	vst v63  }
0x39: {  	s25 =	sadd.s32 $0x10A00, s21;
	s26 =	spop (v2sf)  }
0x3a: {  	(v2sf) =	vpush v3, $0x4;
	[tilespmem:s25], [sflag:$0x1] =	stream.linear.gather [hbm4b:s26+s1], $0x400, $0x38;
	[tilespmem:$0x18800] =	vst v63  }
0x3b: {  	s28 =	sor.u32 $0xE00, s21;
	s29 =	spop (v2sf)  }
0x3c: {  	(v2sf) =	vpush v1, $0x4;
	[tilespmem:s28], [sflag:$0x1] =	stream.linear.gather [hbm4b:s29+s1], $0x400, $0x38;
	[tilespmem:$0x18800] =	vst v63  }
0x3d: {  	s30 =	sadd.s32 $0x8E00, s21;
	s31 =	spop (v2sf)  }
0x3e: {  	(v2sf) =	vpush v2, $0x5;
	[tilespmem:s30], [sflag:$0x1] =	stream.linear.gather [hbm4b:s31+s1], $0x400, $0x38;
	[tilespmem:$0x18800] =	vst v63  }
0x3f: {  	s23 =	sadd.s32 $0x10E00, s21;
	s24 =	spop (v2sf)  }
0x40: {  	(v2sf) =	vpush v3, $0x5;
	[tilespmem:s23], [sflag:$0x1] =	stream.linear.gather [hbm4b:s24+s1], $0x400, $0x38;
	[tilespmem:$0x18800] =	vst v63  }
0x41: {  	s25 =	sor.u32 $0x1200, s21;
	s26 =	spop (v2sf)  }
0x42: {  	(v2sf) =	vpush v1, $0x5;
	[tilespmem:s25], [sflag:$0x1] =	stream.linear.gather [hbm4b:s26+s1], $0x400, $0x38;
	[tilespmem:$0x18800] =	vst v63  }
0x43: {  	s28 =	sadd.s32 $0x9200, s21;
	s29 =	spop (v2sf)  }
0x44: {  	(v2sf) =	vpush v2, $0x6;
	[tilespmem:s28], [sflag:$0x1] =	stream.linear.gather [hbm4b:s29+s1], $0x400, $0x38;
	[tilespmem:$0x18800] =	vst v63  }
0x45: {  	s30 =	sadd.s32 $0x11200, s21;
	s31 =	spop (v2sf)  }
0x46: {  	(v2sf) =	vpush v3, $0x6;
	[tilespmem:s30], [sflag:$0x1] =	stream.linear.gather [hbm4b:s31+s1], $0x400, $0x38;
	[tilespmem:$0x18800] =	vst v63  }
0x47: {  	s23 =	sor.u32 $0x1600, s21;
	s24 =	spop (v2sf)  }
0x48: {  	(v2sf) =	vpush v1, $0x6;
	[tilespmem:s23], [sflag:$0x1] =	stream.linear.gather [hbm4b:s24+s1], $0x400, $0x38;
	[tilespmem:$0x18800] =	vst v63  }
0x49: {  	s25 =	sadd.s32 $0x9600, s21;
	s26 =	spop (v2sf)  }
0x4a: {  	(v2sf) =	vpush v2, $0x7;
	[tilespmem:s25], [sflag:$0x1] =	stream.linear.gather [hbm4b:s26+s1], $0x400, $0x38;
	[tilespmem:$0x18800] =	vst v63  }
0x4b: {  	s28 =	sadd.s32 $0x11600, s21;
	s29 =	spop (v2sf)  }
0x4c: {  	(v2sf) =	vpush v3, $0x7;
	[tilespmem:s28], [sflag:$0x1] =	stream.linear.gather [hbm4b:s29+s1], $0x400, $0x38;
	[tilespmem:$0x18800] =	vst v63  }
0x4d: {  	s30 =	sor.u32 $0x1A00, s21;
	s31 =	spop (v2sf)  }
0x4e: {  	(v2sf) =	vpush v1, $0x7;
	[tilespmem:s30], [sflag:$0x1] =	stream.linear.gather [hbm4b:s31+s1], $0x400, $0x38;
	[tilespmem:$0x18800] =	vst v63  }
0x4f: {  	s23 =	sadd.s32 $0x9A00, s21;
	s24 =	spop (v2sf)  }
0x50: {  	(v2sf) =	vpush v2, $0x8;
	[tilespmem:s23], [sflag:$0x1] =	stream.linear.gather [hbm4b:s24+s1], $0x400, $0x38;
	[tilespmem:$0x18800] =	vst v63  }
0x51: {  	s25 =	sadd.s32 $0x11A00, s21;
	s26 =	spop (v2sf)  }
0x52: {  	(v2sf) =	vpush v3, $0x8;
	[tilespmem:s25], [sflag:$0x1] =	stream.linear.gather [hbm4b:s26+s1], $0x400, $0x38;
	[tilespmem:$0x18800] =	vst v63  }
0x53: {  	s28 =	sor.u32 $0x1E00, s21;
	s29 =	spop (v2sf)  }
0x54: {  	(v2sf) =	vpush v1, $0x8;
	[tilespmem:s28], [sflag:$0x1] =	stream.linear.gather [hbm4b:s29+s1], $0x400, $0x38;
	[tilespmem:$0x18800] =	vst v63  }
0x55: {  	s30 =	sadd.s32 $0x9E00, s21;
	s31 =	spop (v2sf)  }
0x56: {  	(v2sf) =	vpush v2, $0x9;
	[tilespmem:s30], [sflag:$0x1] =	stream.linear.gather [hbm4b:s31+s1], $0x400, $0x38;
	[tilespmem:$0x18800] =	vst v63  }
0x57: {  	s23 =	sadd.s32 $0x11E00, s21;
	s24 =	spop (v2sf)  }
0x58: {  	(v2sf) =	vpush v3, $0x9;
	[tilespmem:s23], [sflag:$0x1] =	stream.linear.gather [hbm4b:s24+s1], $0x400, $0x38;
	[tilespmem:$0x18800] =	vst v63  }
0x59: {  	s25 =	sor.u32 $0x2200, s21;
	s26 =	spop (v2sf)  }
0x5a: {  	(v2sf) =	vpush v1, $0x9;
	[tilespmem:s25], [sflag:$0x1] =	stream.linear.gather [hbm4b:s26+s1], $0x400, $0x38;
	[tilespmem:$0x18800] =	vst v63  }
0x5b: {  	s28 =	sadd.s32 $0xA200, s21;
	s29 =	spop (v2sf)  }
0x5c: {  	(v2sf) =	vpush v2, $0xA;
	[tilespmem:s28], [sflag:$0x1] =	stream.linear.gather [hbm4b:s29+s1], $0x400, $0x38;
	[tilespmem:$0x18800] =	vst v63  }
0x5d: {  	s30 =	sadd.s32 $0x12200, s21;
	s31 =	spop (v2sf)  }
0x5e: {  	(v2sf) =	vpush v3, $0xA;
	[tilespmem:s30], [sflag:$0x1] =	stream.linear.gather [hbm4b:s31+s1], $0x400, $0x38;
	[tilespmem:$0x18800] =	vst v63  }
0x5f: {  	s23 =	sor.u32 $0x2600, s21;
	s24 =	spop (v2sf)  }
0x60: {  	(v2sf) =	vpush v1, $0xA;
	[tilespmem:s23], [sflag:$0x1] =	stream.linear.gather [hbm4b:s24+s1], $0x400, $0x38;
	[tilespmem:$0x18800] =	vst v63  }
0x61: {  	s25 =	sadd.s32 $0xA600, s21;
	s26 =	spop (v2sf)  }
0x62: {  	(v2sf) =	vpush v2, $0xB;
	[tilespmem:s25], [sflag:$0x1] =	stream.linear.gather [hbm4b:s26+s1], $0x400, $0x38;
	[tilespmem:$0x18800] =	vst v63  }
0x63: {  	s28 =	sadd.s32 $0x12600, s21;
	s29 =	spop (v2sf)  }
0x64: {  	(v2sf) =	vpush v3, $0xB;
	[tilespmem:s28], [sflag:$0x1] =	stream.linear.gather [hbm4b:s29+s1], $0x400, $0x38;
	[tilespmem:$0x18800] =	vst v63  }
0x65: {  	s30 =	sor.u32 $0x2A00, s21;
	s31 =	spop (v2sf)  }
0x66: {  	(v2sf) =	vpush v1, $0xB;
	[tilespmem:s30], [sflag:$0x1] =	stream.linear.gather [hbm4b:s31+s1], $0x400, $0x38;
	[tilespmem:$0x18800] =	vst v63  }
0x67: {  	s23 =	sadd.s32 $0xAA00, s21;
	s24 =	spop (v2sf)  }
0x68: {  	(v2sf) =	vpush v2, $0xC;
	[tilespmem:s23], [sflag:$0x1] =	stream.linear.gather [hbm4b:s24+s1], $0x400, $0x38;
	[tilespmem:$0x18800] =	vst v63  }
0x69: {  	s25 =	sadd.s32 $0x12A00, s21;
	s26 =	spop (v2sf)  }
0x6a: {  	(v2sf) =	vpush v3, $0xC;
	[tilespmem:s25], [sflag:$0x1] =	stream.linear.gather [hbm4b:s26+s1], $0x400, $0x38;
	[tilespmem:$0x18800] =	vst v63  }
0x6b: {  	s28 =	sor.u32 $0x2E00, s21;
	s29 =	spop (v2sf)  }
0x6c: {  	(v2sf) =	vpush v1, $0xC;
	[tilespmem:s28], [sflag:$0x1] =	stream.linear.gather [hbm4b:s29+s1], $0x400, $0x38;
	[tilespmem:$0x18800] =	vst v63  }
0x6d: {  	s30 =	sadd.s32 $0xAE00, s21;
	s31 =	spop (v2sf)  }
0x6e: {  	(v2sf) =	vpush v2, $0xD;
	[tilespmem:s30], [sflag:$0x1] =	stream.linear.gather [hbm4b:s31+s1], $0x400, $0x38;
	[tilespmem:$0x18800] =	vst v63  }
0x6f: {  	s23 =	sadd.s32 $0x12E00, s21;
	s24 =	spop (v2sf)  }
0x70: {  	(v2sf) =	vpush v3, $0xD;
	[tilespmem:s23], [sflag:$0x1] =	stream.linear.gather [hbm4b:s24+s1], $0x400, $0x38;
	[tilespmem:$0x18800] =	vst v63  }
0x71: {  	s25 =	sor.u32 $0x3200, s21;
	s26 =	spop (v2sf)  }
0x72: {  	(v2sf) =	vpush v1, $0xD;
	[tilespmem:s25], [sflag:$0x1] =	stream.linear.gather [hbm4b:s26+s1], $0x400, $0x38;
	[tilespmem:$0x18800] =	vst v63  }
0x73: {  	s28 =	sadd.s32 $0xB200, s21;
	s29 =	spop (v2sf)  }
0x74: {  	(v2sf) =	vpush v2, $0xE;
	[tilespmem:s28], [sflag:$0x1] =	stream.linear.gather [hbm4b:s29+s1], $0x400, $0x38;
	[tilespmem:$0x18800] =	vst v63  }
0x75: {  	s30 =	sadd.s32 $0x13200, s21;
	s31 =	spop (v2sf)  }
0x76: {  	(v2sf) =	vpush v3, $0xE;
	[tilespmem:s30], [sflag:$0x1] =	stream.linear.gather [hbm4b:s31+s1], $0x400, $0x38;
	[tilespmem:$0x18800] =	vst v63  }
0x77: {  	s23 =	sor.u32 $0x3600, s21;
	s24 =	spop (v2sf)  }
0x78: {  	(v2sf) =	vpush v1, $0xE;
	[tilespmem:s23], [sflag:$0x1] =	stream.linear.gather [hbm4b:s24+s1], $0x400, $0x38;
	[tilespmem:$0x18800] =	vst v63  }
0x79: {  	s25 =	sadd.s32 $0xB600, s21;
	s26 =	spop (v2sf)  }
0x7a: {  	(v2sf) =	vpush v2, $0xF;
	[tilespmem:s25], [sflag:$0x1] =	stream.linear.gather [hbm4b:s26+s1], $0x400, $0x38;
	[tilespmem:$0x18800] =	vst v63  }
0x7b: {  	s28 =	sadd.s32 $0x13600, s21;
	s29 =	spop (v2sf)  }
0x7c: {  	(v2sf) =	vpush v3, $0xF;
	[tilespmem:s28], [sflag:$0x1] =	stream.linear.gather [hbm4b:s29+s1], $0x400, $0x38;
	[tilespmem:$0x18800] =	vst v63  }
0x7d: {  	s30 =	sor.u32 $0x3A00, s21;
	s31 =	spop (v2sf)  }
0x7e: {  	(v2sf) =	vpush v1, $0xF;
	[tilespmem:s30], [sflag:$0x1] =	stream.linear.gather [hbm4b:s31+s1], $0x400, $0x38;
	[tilespmem:$0x18800] =	vst v63  }
0x7f: {  	s24 =	sadd.s32 $0xBA00, s21;
	s23 =	spop (v2sf)  }
0x80: {  	[tilespmem:s24], [sflag:$0x1] =	stream.linear.gather [hbm4b:s23+s1], $0x400, $0x38;
	[tilespmem:$0x18800] =	vst v63  }
0x81: {  	s26 =	sadd.s32 $0x13A00, s21;
	s25 =	spop (v2sf)  }
0x82: {  	[tilespmem:s26], [sflag:$0x1] =	stream.linear.gather [hbm4b:s25+s1], $0x400, $0x38;
	[tilespmem:$0x18800] =	vst v63  }
0x83: {  	s28 =	spop (v2sf);
	s29 =	sor.u32 $0x3E00, s21  }
0x84: {  	[tilespmem:s29], [sflag:$0x1] =	stream.linear.gather [hbm4b:s28+s1], $0x400, $0x38;
	[tilespmem:$0x18800] =	vst v63  }
0x85: {  	s30 =	spop (v2sf);
	s31 =	sadd.s32 $0xBE00, s21  }
0x86: {  	[tilespmem:s31], [sflag:$0x1] =	stream.linear.gather [hbm4b:s30+s1], $0x400, $0x38;
	[tilespmem:$0x18800] =	vst v63  }
0x87: {  	s24 =	spop (v2sf);
	s25 =	sadd.s32 $0x13E00, s21  }
0x88: {  	[tilespmem:s25], [sflag:$0x1] =	stream.linear.gather [hbm4b:s24+s1], $0x400, $0x38;
	[tilespmem:$0x18800] =	vst v63  }
0x89: {  	p1 =	por p0, p0;
	s26 =	spop (v2sf);
	s28 =	sadd.s32 $0x4200, s21  }
0x8a: {  	[tilespmem:s28], [sflag:$0x1] =	stream.linear.gather [hbm4b:s26+s1], $0x400, $0x38;
	[tilespmem:$0x18800] =	vst v63  }
.Ltmp0:
0x8b: {  	s29 =	spop (v2sf);
	s30 =	sadd.s32 $0xC200, s21;
	(pc) =	sbr.rel @p1 .LBB2_3-.Ltmp0, $4  }
0x8c: {  	[tilespmem:s30], [sflag:$0x1] =	stream.linear.gather [hbm4b:s29+s1], $0x400, $0x38;
	[tilespmem:$0x18800] =	vst v63  }
0x8d: {  	s21 =	sadd.s32 $0x14200, s21;
	s31 =	spop (v2sf)  }
0x8e: {  	[tilespmem:s21], [sflag:$0x1] =	stream.linear.gather [hbm4b:s31+s1], $0x400, $0x38;
	[tilespmem:$0x18800] =	vst v63  }
0x8f: {  	p0 =	por $0x0, $0x0;
	s21 =	simm.s32 $0x1  }
0x90: {  	_ =	swait.ge [sflag:s13], $0x8000  }
0x91: {  	[sflag:s13] =	ssyncset.done $0x0  }
0x92: {  	[sflag:s13] =	ssyncadd.s32 $0xFFFF8000  }
0x93: {  	_ =	swait.ge [sflag:s13], $0x8000  }
0x94: {  	[sflag:s13] =	ssyncset.done $0x0  }
0x95: {  	[sflag:s13] =	ssyncadd.s32 $0xFFFF8000  }
0x96: {  	_ =	swait.ge [sflag:s13], $0x8000  }
0x97: {  	[sflag:s13] =	ssyncset.done $0x0  }
0x98: {  	s22 =	simm.s32 $0x0;
	p0 =	por $0x1, $0x1;
	[sflag:s13] =	ssyncadd.s32 $0xFFFF8000  }
.LBB2_5:
0x99: {  	s21 =	sor.u32 s20, s22  }
0x9a: {  	v1 =	vld [tilespmem:s21+$0x0]  }
0x9b: {  	v2 =	vld [tilespmem:s21+$0x200]  }
0x9c: {  	v3 =	vld [tilespmem:s21+$0x400]  }
0x9d: {  	v4 =	vmov s22  }
0x9e: {  	v4 =	vshll.u32 v4, $0x3  }
0x9f: {  	v4 =	vor.u32 v0, v4;
	v1 =	vand.u32 $0x7, v1  }
0xa0: {  	v2 =	vand.u32 $0x7, v2;
	v1 =	vor.u32 v4, v1  }
0xa1: {  	v3 =	vand.u32 $0x7, v3;
	v2 =	vor.u32 v4, v2;
	v1 =	vshll.u32 v1, $0x7  }
0xa2: {  	v3 =	vor.u32 v4, v3;
	v2 =	vshll.u32 v2, $0x7  }
0xa3: {  	v3 =	vshll.u32 v3, $0x7  }
0xa4: {  	v45 =	vor.u32 $0x1, v1  }
0xa5: {  	v5 =	vor.u32 $0x1, v2  }
0xa6: {  	v7 =	vor.u32 $0x1, v3;
	v6 =	vld.idx.msk [tilespmem:v1+s14+$0x0], $0xffff  }
0xa7: {  	v9 =	vor.u32 $0x2, v1;
	v8 =	vld.idx.msk [tilespmem:v2+s15+$0x0], $0xffff  }
0xa8: {  	v11 =	vor.u32 $0x2, v2;
	v10 =	vld.idx.msk [tilespmem:v3+s16+$0x0], $0xffff  }
0xa9: {  	v12 =	vor.u32 $0x2, v3;
	v4 =	vld.idx.msk [tilespmem:v45+s14+$0x0], $0xffff  }
0xaa: {  	v13 =	vor.u32 $0x3, v1;
	v5 =	vld.idx.msk [tilespmem:v5+s15+$0x0], $0xffff  }
0xab: {  	v14 =	vor.u32 $0x3, v2;
	v7 =	vld.idx.msk [tilespmem:v7+s16+$0x0], $0xffff  }
0xac: {  	v15 =	vor.u32 $0x3, v3;
	v9 =	vld.idx.msk [tilespmem:v9+s14+$0x0], $0xffff  }
0xad: {  	v16 =	vor.u32 $0x4, v1;
	v11 =	vld.idx.msk [tilespmem:v11+s15+$0x0], $0xffff  }
0xae: {  	v17 =	vor.u32 $0x4, v2;
	v12 =	vld.idx.msk [tilespmem:v12+s16+$0x0], $0xffff  }
0xaf: {  	v18 =	vor.u32 $0x4, v3;
	v13 =	vld.idx.msk [tilespmem:v13+s14+$0x0], $0xffff  }
0xb0: {  	v19 =	vor.u32 $0x5, v1;
	v14 =	vld.idx.msk [tilespmem:v14+s15+$0x0], $0xffff  }
0xb1: {  	v20 =	vor.u32 $0x5, v2;
	v15 =	vld.idx.msk [tilespmem:v15+s16+$0x0], $0xffff  }
0xb2: {  	v21 =	vor.u32 $0x5, v3;
	v16 =	vld.idx.msk [tilespmem:v16+s14+$0x0], $0xffff  }
0xb3: {  	v22 =	vor.u32 $0x6, v1;
	v17 =	vld.idx.msk [tilespmem:v17+s15+$0x0], $0xffff  }
0xb4: {  	v23 =	vor.u32 $0x6, v2;
	v18 =	vld.idx.msk [tilespmem:v18+s16+$0x0], $0xffff  }
0xb5: {  	v24 =	vor.u32 $0x6, v3;
	v19 =	vld.idx.msk [tilespmem:v19+s14+$0x0], $0xffff  }
0xb6: {  	v47 =	vor.u32 $0x7, v1;
	v46 =	vld.idx.msk [tilespmem:v20+s15+$0x0], $0xffff  }
0xb7: {  	v25 =	vor.u32 $0x7, v2;
	v21 =	vld.idx.msk [tilespmem:v21+s16+$0x0], $0xffff  }
0xb8: {  	v51 =	vor.u32 $0x8, v1;
	v48 =	vld.idx.msk [tilespmem:v22+s14+$0x0], $0xffff  }
0xb9: {  	v53 =	vor.u32 $0x8, v2;
	v50 =	vld.idx.msk [tilespmem:v23+s15+$0x0], $0xffff  }
0xba: {  	v55 =	vor.u32 $0x8, v3;
	v52 =	vld.idx.msk [tilespmem:v24+s16+$0x0], $0xffff  }
0xbb: {  	v57 =	vor.u32 $0x9, v1;
	v54 =	vld.idx.msk [tilespmem:v47+s14+$0x0], $0xffff;
	v8 =	vsub.f32 v8, v10  }
0xbc: {  	v61 =	vor.u32 $0x9, v3;
	v56 =	vld.idx.msk [tilespmem:v25+s15+$0x0], $0xffff  }
0xbd: {  	v30 =	vor.u32 $0xA, v2;
	v60 =	vld.idx.msk [tilespmem:v51+s14+$0x0], $0xffff;
	v5 =	vsub.f32 v5, v7;
	v6 =	vmul.f32 v8, v6  }
0xbe: {  	v49 =	vor.u32 $0x7, v3;
	v32 =	vor.u32 $0xA, v3;
	v63 =	vld.idx.msk [tilespmem:v53+s15+$0x0], $0xffff  }
0xbf: {  	v29 =	vld.idx.msk [tilespmem:v55+s16+$0x0], $0xffff;
	v11 =	vsub.f32 v11, v12;
	v4 =	vmul.f32 v5, v4;
	v6 =	vadd.f32 $0.0e+00, v6  }
0xc0: {  	v33 =	vor.u32 $0xB, v1;
	v35 =	vor.u32 $0xB, v2;
	v31 =	vld.idx.msk [tilespmem:v57+s14+$0x0], $0xffff  }
0xc1: {  	v34 =	vld.idx.msk [tilespmem:v61+s16+$0x0], $0xffff;
	v58 =	vsub.f32 v14, v15;
	v9 =	vmul.f32 v11, v9;
	v4 =	vadd.f32 v4, v6  }
0xc2: {  	v59 =	vor.u32 $0x9, v2;
	v44 =	vor.u32 $0xD, v1;
	v37 =	vld.idx.msk [tilespmem:v30+s15+$0x0], $0xffff  }
0xc3: {  	v39 =	vld.idx.msk [tilespmem:v32+s16+$0x0], $0xffff;
	v17 =	vsub.f32 v17, v18;
	v62 =	vmul.f32 v58, v13;
	v4 =	vadd.f32 v9, v4  }
0xc4: {  	v36 =	vor.u32 $0xB, v3;
	v47 =	vor.u32 $0xD, v2;
	v8 =	vld.idx.msk [tilespmem:v49+s16+$0x0], $0xffff  }
0xc5: {  	v41 =	vld.idx.msk [tilespmem:v33+s14+$0x0], $0xffff;
	v10 =	vsub.f32 v46, v21;
	v16 =	vmul.f32 v17, v16;
	v4 =	vadd.f32 v62, v4  }
0xc6: {  	v28 =	vor.u32 $0xA, v1;
	v43 =	vld.idx.msk [tilespmem:v35+s15+$0x0], $0xffff;
	v51 =	vor.u32 $0xE, v1  }
0xc7: {  	v14 =	vld.idx.msk [tilespmem:v59+s15+$0x0], $0xffff;
	v10 =	vmul.f32 v10, v19;
	v5 =	vsub.f32 v50, v52;
	v4 =	vadd.f32 v16, v4  }
0xc8: {  	v40 =	vor.u32 $0xC, v2;
	v42 =	vor.u32 $0xC, v3;
	v53 =	vld.idx.msk [tilespmem:v44+s14+$0x0], $0xffff  }
0xc9: {  	v46 =	vld.idx.msk [tilespmem:v36+s16+$0x0], $0xffff;
	v5 =	vmul.f32 v5, v48;
	v6 =	vsub.f32 v56, v8;
	v4 =	vadd.f32 v10, v4  }
0xca: {  	v38 =	vor.u32 $0xC, v1;
	v55 =	vld.idx.msk [tilespmem:v47+s15+$0x0], $0xffff;
	v49 =	vor.u32 $0xD, v3  }
0xcb: {  	v57 =	vld.idx.msk [tilespmem:v51+s14+$0x0], $0xffff;
	v11 =	vsub.f32 v63, v29;
	v45 =	vmul.f32 v6, v54;
	v4 =	vadd.f32 v5, v4  }
0xcc: {  	v13 =	vld.idx.msk [tilespmem:v28+s14+$0x0], $0xffff;
	v52 =	vor.u32 $0xE, v2;
	v14 =	vsub.f32 v14, v34  }
0xcd: {  	v50 =	vld.idx.msk [tilespmem:v40+s15+$0x0], $0xffff;
	v11 =	vmul.f32 v11, v60;
	v54 =	vor.u32 $0xE, v3;
	v4 =	vadd.f32 v45, v4  }
0xce: {  	v2 =	vor.u32 $0xF, v2;
	v8 =	vld.idx.msk [tilespmem:v42+s16+$0x0], $0xffff;
	v9 =	vmul.f32 v14, v31  }
0xcf: {  	v48 =	vld.idx.msk [tilespmem:v38+s14+$0x0], $0xffff;
	v3 =	vor.u32 $0xF, v3;
	v10 =	vsub.f32 v37, v39;
	v4 =	vadd.f32 v11, v4  }
0xd0: {  	v1 =	vor.u32 $0xF, v1;
	v56 =	vld.idx.msk [tilespmem:v49+s16+$0x0], $0xffff  }
0xd1: {  	v58 =	vld.idx.msk [tilespmem:v52+s15+$0x0], $0xffff;
	v6 =	vsub.f32 v43, v46;
	v10 =	vmul.f32 v10, v13;
	v4 =	vadd.f32 v9, v4  }
0xd2: {  	v59 =	vld.idx.msk [tilespmem:v54+s16+$0x0], $0xffff  }
0xd3: {  	v2 =	vld.idx.msk [tilespmem:v2+s15+$0x0], $0xffff;
	v6 =	vmul.f32 v6, v41;
	v5 =	vsub.f32 v50, v8;
	v4 =	vadd.f32 v10, v4  }
0xd4: {  	v3 =	vld.idx.msk [tilespmem:v3+s16+$0x0], $0xffff  }
0xd5: {  	v60 =	vsub.f32 v55, v56;
	v5 =	vmul.f32 v5, v48;
	v4 =	vadd.f32 v6, v4  }
0xd6: {  	v1 =	vld.idx.msk [tilespmem:v1+s14+$0x0], $0xffff  }
0xd7: {  	v61 =	vmul.f32 v60, v53;
	v62 =	vsub.f32 v58, v59;
	v4 =	vadd.f32 v5, v4;
	_ =	sdelay $0x1  }
0xd8: {  	v2 =	vsub.f32 v2, v3;
	v63 =	vmul.f32 v62, v57;
	v4 =	vadd.f32 v61, v4  }
0xd9: {  	p1 =	por p0, p0  }
.Ltmp1:
0xda: {  	v1 =	vmul.f32 v2, v1;
	v3 =	vadd.f32 v63, v4;
	(pc) =	sbr.rel @p1 .LBB2_5-.Ltmp1, $3  }
0xdb: {  	_ = 	snop  }
0xdc: {  	v1 =	vadd.f32 v1, v3;
	_ =	sdelay $0x1  }
0xdd: {  	s22 =	simm.s32 $0x10;
	p0 =	por $0x0, $0x0;
	[tilespmem:s21+$0x18600] =	vst v1  }
0xde: {  	s19 =	sadd.s32 $0x1, s19  }
0xdf: {  	p0 =	sne.s32 s19, $0x10  }
.Ltmp2:
0xe0: {  	_ = 	snop;
	(pc) =	sbr.rel @p0 .LBB2_2-.Ltmp2, $1  }
0xe1: {  	_ =	sdelay $0x3  }
0xe2: {  	s18 =	sadd.s32 $0x1, s18  }
0xe3: {  	p0 =	sne.s32 s18, s9  }
.Ltmp3:
0xe4: {  	_ = 	snop;
	(pc) =	sbr.rel @p0 .LBB2_1-.Ltmp3, $4  }
0xe5: {  	[hbm4b:s8+s1] =	stream.linear.scatter [tilespmem:s17], [sflag:$0x2], $0x200, $0x38;
	[tilespmem:$0x18800] =	vst v63  }
0xe6: {  	_ =	swait.ge [sflag:s10], $0x200  }
0xe7: {  	[sflag:s10] =	ssyncset.done $0x0  }
0xe8: {  	[sflag:s10] =	ssyncadd.s32 $0xFFFFFE00  }
0xe9: {  	_ =	sfence.sel $0x180000  }
0xea: {  	[bflag:$0x0] =	sbarrier.arrive $0xFFFF  }
0xeb: {  	p0 =	sne.s32 s2, $0x0;
	_ =	strace $0x90000047  }
0xec: {  	s0 =	sadd.s32 @!p0 $0x100000, s0;
	[bflag:$0x2] =	sbarrier.arrive $0xFFFF  }
0xed: {  	[sflag:s0] =	ssyncadd.tile.s32 @!p0 $0x1;
	_ =	shalt  }
.Lfunc_end2:
_tile_overlayer_lowered:
.L_overlay_start_2:
0xee: {  	(tag) =	ssettag $0x2  }
0xef: {  	s0 =	rddreg [dreg:$0x0];
	s2 =	stileid.u32  }
0xf0: {  	s1 =	rddreg [dreg:$0x1];
	p0 =	sne.s32 s2, $0x0  }
0xf1: {  	s3 =	rddreg [dreg:$0x2];
	[bflag:$0x3] =	sbarrier.arrive $0xFFFF;
	s2 =	simm.s32 @!p0 $0x1C02  }
0xf2: {  	[timem:s3], [sflag:s2] =	dma.local @!p0 [hbm:s0], s1  }
0xf3: {  	s0 =	simm.s32 @!p0 $0x2  }
0xf4: {  	_ =	swait.ge @!p0 [sflag:s0], s1  }
0xf5: {  	s1 =	ssub.s32 @!p0 $0x0, s1;
	[sflag:s0] =	ssyncset.done @!p0 $0x0  }
0xf6: {  	[sflag:s0] =	ssyncadd.s32 @!p0 s1  }
0xf7: {  	[bflag:$0x3] =	sbarrier.arrive $0xFFFF  }
0xf8: {  	_ =	shalt  }

</sc_bundles>
